<compile_context>
chip_gen: v7x
topology: tpu7x:2x2x1
jax: 0.10.2.dev20260603
libtpu: 0.0.44.dev20260713+nightly
codegen_flags: <defaults>
</compile_context>

<pallas_src>
import functools

import jax
import jax.numpy as jnp
from jax import lax
from jax.experimental import pallas as pl
from jax.experimental.pallas import tpu as pltpu
from jax.experimental.pallas import tpu_sc as plsc

_D = 128
_NW = 32
_CHUNK = 128


_NBUF = 4


def _emb_body(nchunk, table_hbm, idx_hbm, out_hbm, idx_v, buf, gsems, wsems):
    c = lax.axis_index("c")
    s = lax.axis_index("s")
    wid = s * 2 + c
    base = wid * (nchunk * _CHUNK)

    pltpu.sync_copy(idx_hbm.at[wid], idx_v)

    def gather(j, b):
        pltpu.async_copy(table_hbm.at[idx_v.at[j]], buf.at[b], gsems.at[b])

    def write(j, b):
        pltpu.async_copy(
            buf.at[b], out_hbm.at[pl.ds(base + j * _CHUNK, _CHUNK)], wsems.at[b]
        )

    def wait_gather(b):
        pltpu.make_async_copy(table_hbm.at[idx_v.at[0]], buf.at[b], gsems.at[b]).wait()

    def wait_write(b):
        pltpu.make_async_copy(
            buf.at[b], out_hbm.at[pl.ds(base, _CHUNK)], wsems.at[b]
        ).wait()

    for b in range(_NBUF):
        gather(b, b)

    nblk = nchunk // _NBUF

    @pl.loop(0, nblk - 1)
    def _(i):
        g = i * _NBUF
        for b in range(_NBUF):
            wait_gather(b)
            write(g + b, b)
        for b in range(_NBUF):
            wait_write(b)
            gather(g + _NBUF + b, b)

    g = (nblk - 1) * _NBUF
    for b in range(_NBUF):
        wait_gather(b)
        write(g + b, b)
    for b in range(_NBUF):
        wait_write(b)


def kernel(key, table):
    b, h = key.shape
    total = b * h
    per_w = total // _NW
    nchunk = per_w // _CHUNK
    idx = key.reshape(_NW, nchunk, _CHUNK).astype(jnp.int32)

    mesh = plsc.VectorSubcoreMesh(core_axis_name="c", subcore_axis_name="s")
    out = pl.kernel(
        functools.partial(_emb_body, nchunk),
        out_type=jax.ShapeDtypeStruct((total, _D), jnp.float32),
        mesh=mesh,
        scratch_types=[
            pltpu.VMEM((nchunk, _CHUNK), jnp.int32),
            pltpu.VMEM((_NBUF, _CHUNK, _D), jnp.float32),
            pltpu.SemaphoreType.DMA((_NBUF,)),
            pltpu.SemaphoreType.DMA((_NBUF,)),
        ],
    )(table, idx)
    return out.reshape(b, h, _D)

# --- scband reference (transcript-rebuilt; emitter-appended) ---
"""Pipeline reference for scband-key-net-19361712570537 (READ-ONLY COPY).

The authoritative reference and input builder live on the scoring server;
editing this copy changes nothing except your own understanding.
"""

import jax, jax.numpy as jnp
import numpy as np

VOCAB = 100000
EMBED_DIM = 128
BATCH = 4096
HIST = 200

def setup_inputs(seed: int = 0) -> dict:
    key = jax.random.key(seed)
    k1, k2 = jax.random.split(key)
    indices = jax.random.randint(k1, (BATCH, HIST), 0, VOCAB, dtype=jnp.int64 if jax.config.jax_enable_x64 else jnp.int32)
    # embedding table, initialized like nn.Embedding (N(0,1))
    table = jax.random.normal(k2, (VOCAB, EMBED_DIM), dtype=jnp.float32)
    return {"key": indices, "table": table}

def reference(key, table):
    # nn.Embedding lookup: gather rows of the table by index
    key_ebd = jnp.take(table, key, axis=0)
    return key_ebd

if __name__ == "__main__":
    import jax
    _d = setup_inputs()
    print(jax.jit(kernel)(*tuple(_d.values())))

</pallas_src>

<mosaic_0001>
#map = affine_map<(d0, d1) -> (0, 0)>
#map1 = affine_map<(d0, d1) -> (0, 0, 0)>
module attributes {stable_mosaic.version = 14 : i64} {
  func.func @_emb_body(%arg0: i32, %arg1: i32, %arg2: memref<100000x128xf32, #tpu.memory_space<hbm>>, %arg3: memref<32x200x128xi32, #tpu.memory_space<hbm>>, %arg4: memref<819200x128xf32, #tpu.memory_space<hbm>>, %arg5: memref<200x128xi32, #tpu.memory_space<vmem>>, %arg6: memref<4x128x128xf32, #tpu.memory_space<vmem>>, %arg7: memref<4x!tpu.dma_semaphore, #tpu.memory_space<semaphore_mem>>, %arg8: memref<4x!tpu.dma_semaphore, #tpu.memory_space<semaphore_mem>>) attributes {dimension_semantics = [#tpu.dimension_semantics<core_parallel>, #tpu.dimension_semantics<subcore_parallel>], iteration_bounds = array<i64: 2, 16>, scalar_prefetch = 0 : i64, scratch_operands = 4 : i64, tpu.core_type = #tpu.core_type<sc_vector_subcore>, window_params = [{transform_indices = #map}, {transform_indices = #map1}, {transform_indices = #map}]} {
    %mul3A = arith.constant 2 : i32
    %mul3A_0 = arith.muli %arg1, %mul3A : i32
    %add3A = arith.addi %mul3A_0, %arg0 : i32
    %mul3A_1 = arith.constant 25600 : i32
    %mul3A_2 = arith.muli %add3A, %mul3A_1 : i32
    "tpu.region"() ({
      %run_scoped3A = tpu.sem_alloc : memref<!tpu.dma_semaphore, #tpu.memory_space<semaphore_mem>>
      %dma_start3A_261 = arith.constant 0 : i32
      %dma_start3A_262 = arith.constant 0 : i32
      %dma_start3A_263 = tpu.memref_slice %arg3[%add3A, %dma_start3A_261, %dma_start3A_262] : memref<32x200x128xi32, #tpu.memory_space<hbm>> -> memref<1x200x128xi32, #tpu.memory_space<hbm>>
      %dma_start3A_264 = tpu.memref_squeeze %dma_start3A_263 : memref<1x200x128xi32, #tpu.memory_space<hbm>> -> memref<200x128xi32, #tpu.memory_space<hbm>>
      %dma_start3A_265 = arith.constant 0 : i32
      %dma_start3A_266 = arith.constant 0 : i32
      %dma_start3A_267 = tpu.memref_slice %arg3[%add3A, %dma_start3A_265, %dma_start3A_266] : memref<32x200x128xi32, #tpu.memory_space<hbm>> -> memref<1x200x128xi32, #tpu.memory_space<hbm>>
      %dma_start3A_268 = tpu.memref_squeeze %dma_start3A_267 : memref<1x200x128xi32, #tpu.memory_space<hbm>> -> memref<200x128xi32, #tpu.memory_space<hbm>>
      tpu.enqueue_dma source(%dma_start3A_268 : memref<200x128xi32, #tpu.memory_space<hbm>>) target(%arg5 : memref<200x128xi32, #tpu.memory_space<vmem>>) target_semaphore(%run_scoped3A : memref<!tpu.dma_semaphore, #tpu.memory_space<semaphore_mem>>)
      %dma_wait3A_269 = arith.constant 0 : i32
      %dma_wait3A_270 = arith.constant 0 : i32
      %dma_wait3A_271 = tpu.memref_slice %arg3[%add3A, %dma_wait3A_269, %dma_wait3A_270] : memref<32x200x128xi32, #tpu.memory_space<hbm>> -> memref<1x200x128xi32, #tpu.memory_space<hbm>>
      %dma_wait3A_272 = tpu.memref_squeeze %dma_wait3A_271 : memref<1x200x128xi32, #tpu.memory_space<hbm>> -> memref<200x128xi32, #tpu.memory_space<hbm>>
      %dma_wait3A_273 = arith.constant 0 : i32
      %dma_wait3A_274 = arith.constant 0 : i32
      %dma_wait3A_275 = tpu.memref_slice %arg3[%add3A, %dma_wait3A_273, %dma_wait3A_274] : memref<32x200x128xi32, #tpu.memory_space<hbm>> -> memref<1x200x128xi32, #tpu.memory_space<hbm>>
      %dma_wait3A_276 = tpu.memref_squeeze %dma_wait3A_275 : memref<1x200x128xi32, #tpu.memory_space<hbm>> -> memref<200x128xi32, #tpu.memory_space<hbm>>
      tpu.wait_dma2 semaphore(%run_scoped3A : memref<!tpu.dma_semaphore, #tpu.memory_space<semaphore_mem>>) src(%dma_wait3A_276 : memref<200x128xi32, #tpu.memory_space<hbm>>) dst(%arg5 : memref<200x128xi32, #tpu.memory_space<vmem>>)
      tpu.yield
    }) : () -> ()
    %dma_start3A = arith.constant 0 : i32
    %dma_start3A_3 = arith.constant 0 : i32
    %dma_start3A_4 = arith.constant 0 : i32
    %dma_start3A_5 = arith.constant 0 : i32
    %dma_start3A_6 = arith.constant 0 : i32
    %dma_start3A_7 = tpu.memref_slice %arg6[%dma_start3A_3, %dma_start3A_5, %dma_start3A_6] : memref<4x128x128xf32, #tpu.memory_space<vmem>> -> memref<1x128x128xf32, #tpu.memory_space<vmem>>
    %dma_start3A_8 = tpu.memref_squeeze %dma_start3A_7 : memref<1x128x128xf32, #tpu.memory_space<vmem>> -> memref<128x128xf32, #tpu.memory_space<vmem>>
    %dma_start3A_9 = arith.constant 0 : i32
    %dma_start3A_10 = tpu.memref_slice %arg5[%dma_start3A, %dma_start3A_9] : memref<200x128xi32, #tpu.memory_space<vmem>> -> memref<1x128xi32, #tpu.memory_space<vmem>>
    %dma_start3A_11 = tpu.memref_squeeze %dma_start3A_10 : memref<1x128xi32, #tpu.memory_space<vmem>> -> memref<128xi32, #tpu.memory_space<vmem>>
    %dma_start3A_12 = arith.constant 0 : i32
    %dma_start3A_13 = arith.constant 0 : i32
    %dma_start3A_14 = tpu.memref_slice %arg2[%dma_start3A_12, %dma_start3A_13] : memref<100000x128xf32, #tpu.memory_space<hbm>> -> memref<100000x128xf32, #tpu.memory_space<hbm>>
    %dma_start3A_15 = tpu.memref_slice %arg7[%dma_start3A_4] : memref<4x!tpu.dma_semaphore, #tpu.memory_space<semaphore_mem>> -> memref<1x!tpu.dma_semaphore, #tpu.memory_space<semaphore_mem>>
    %dma_start3A_16 = tpu.memref_squeeze %dma_start3A_15 : memref<1x!tpu.dma_semaphore, #tpu.memory_space<semaphore_mem>> -> memref<!tpu.dma_semaphore, #tpu.memory_space<semaphore_mem>>
    tpu.enqueue_indirect_dma source(%dma_start3A_14 : memref<100000x128xf32, #tpu.memory_space<hbm>>) target(%dma_start3A_8 : memref<128x128xf32, #tpu.memory_space<vmem>>) offsets(%dma_start3A_11 : memref<128xi32, #tpu.memory_space<vmem>>) semaphore(%dma_start3A_16 : memref<!tpu.dma_semaphore, #tpu.memory_space<semaphore_mem>>)
    %dma_start3A_17 = arith.constant 1 : i32
    %dma_start3A_18 = arith.constant 1 : i32
    %dma_start3A_19 = arith.constant 1 : i32
    %dma_start3A_20 = arith.constant 0 : i32
    %dma_start3A_21 = arith.constant 0 : i32
    %dma_start3A_22 = tpu.memref_slice %arg6[%dma_start3A_18, %dma_start3A_20, %dma_start3A_21] : memref<4x128x128xf32, #tpu.memory_space<vmem>> -> memref<1x128x128xf32, #tpu.memory_space<vmem>>
    %dma_start3A_23 = tpu.memref_squeeze %dma_start3A_22 : memref<1x128x128xf32, #tpu.memory_space<vmem>> -> memref<128x128xf32, #tpu.memory_space<vmem>>
    %dma_start3A_24 = arith.constant 0 : i32
    %dma_start3A_25 = tpu.memref_slice %arg5[%dma_start3A_17, %dma_start3A_24] : memref<200x128xi32, #tpu.memory_space<vmem>> -> memref<1x128xi32, #tpu.memory_space<vmem>>
    %dma_start3A_26 = tpu.memref_squeeze %dma_start3A_25 : memref<1x128xi32, #tpu.memory_space<vmem>> -> memref<128xi32, #tpu.memory_space<vmem>>
    %dma_start3A_27 = arith.constant 0 : i32
    %dma_start3A_28 = arith.constant 0 : i32
    %dma_start3A_29 = tpu.memref_slice %arg2[%dma_start3A_27, %dma_start3A_28] : memref<100000x128xf32, #tpu.memory_space<hbm>> -> memref<100000x128xf32, #tpu.memory_space<hbm>>
    %dma_start3A_30 = tpu.memref_slice %arg7[%dma_start3A_19] : memref<4x!tpu.dma_semaphore, #tpu.memory_space<semaphore_mem>> -> memref<1x!tpu.dma_semaphore, #tpu.memory_space<semaphore_mem>>
    %dma_start3A_31 = tpu.memref_squeeze %dma_start3A_30 : memref<1x!tpu.dma_semaphore, #tpu.memory_space<semaphore_mem>> -> memref<!tpu.dma_semaphore, #tpu.memory_space<semaphore_mem>>
    tpu.enqueue_indirect_dma source(%dma_start3A_29 : memref<100000x128xf32, #tpu.memory_space<hbm>>) target(%dma_start3A_23 : memref<128x128xf32, #tpu.memory_space<vmem>>) offsets(%dma_start3A_26 : memref<128xi32, #tpu.memory_space<vmem>>) semaphore(%dma_start3A_31 : memref<!tpu.dma_semaphore, #tpu.memory_space<semaphore_mem>>)
    %dma_start3A_32 = arith.constant 2 : i32
    %dma_start3A_33 = arith.constant 2 : i32
    %dma_start3A_34 = arith.constant 2 : i32
    %dma_start3A_35 = arith.constant 0 : i32
    %dma_start3A_36 = arith.constant 0 : i32
    %dma_start3A_37 = tpu.memref_slice %arg6[%dma_start3A_33, %dma_start3A_35, %dma_start3A_36] : memref<4x128x128xf32, #tpu.memory_space<vmem>> -> memref<1x128x128xf32, #tpu.memory_space<vmem>>
    %dma_start3A_38 = tpu.memref_squeeze %dma_start3A_37 : memref<1x128x128xf32, #tpu.memory_space<vmem>> -> memref<128x128xf32, #tpu.memory_space<vmem>>
    %dma_start3A_39 = arith.constant 0 : i32
    %dma_start3A_40 = tpu.memref_slice %arg5[%dma_start3A_32, %dma_start3A_39] : memref<200x128xi32, #tpu.memory_space<vmem>> -> memref<1x128xi32, #tpu.memory_space<vmem>>
    %dma_start3A_41 = tpu.memref_squeeze %dma_start3A_40 : memref<1x128xi32, #tpu.memory_space<vmem>> -> memref<128xi32, #tpu.memory_space<vmem>>
    %dma_start3A_42 = arith.constant 0 : i32
    %dma_start3A_43 = arith.constant 0 : i32
    %dma_start3A_44 = tpu.memref_slice %arg2[%dma_start3A_42, %dma_start3A_43] : memref<100000x128xf32, #tpu.memory_space<hbm>> -> memref<100000x128xf32, #tpu.memory_space<hbm>>
    %dma_start3A_45 = tpu.memref_slice %arg7[%dma_start3A_34] : memref<4x!tpu.dma_semaphore, #tpu.memory_space<semaphore_mem>> -> memref<1x!tpu.dma_semaphore, #tpu.memory_space<semaphore_mem>>
    %dma_start3A_46 = tpu.memref_squeeze %dma_start3A_45 : memref<1x!tpu.dma_semaphore, #tpu.memory_space<semaphore_mem>> -> memref<!tpu.dma_semaphore, #tpu.memory_space<semaphore_mem>>
    tpu.enqueue_indirect_dma source(%dma_start3A_44 : memref<100000x128xf32, #tpu.memory_space<hbm>>) target(%dma_start3A_38 : memref<128x128xf32, #tpu.memory_space<vmem>>) offsets(%dma_start3A_41 : memref<128xi32, #tpu.memory_space<vmem>>) semaphore(%dma_start3A_46 : memref<!tpu.dma_semaphore, #tpu.memory_space<semaphore_mem>>)
    %dma_start3A_47 = arith.constant 3 : i32
    %dma_start3A_48 = arith.constant 3 : i32
    %dma_start3A_49 = arith.constant 3 : i32
    %dma_start3A_50 = arith.constant 0 : i32
    %dma_start3A_51 = arith.constant 0 : i32
    %dma_start3A_52 = tpu.memref_slice %arg6[%dma_start3A_48, %dma_start3A_50, %dma_start3A_51] : memref<4x128x128xf32, #tpu.memory_space<vmem>> -> memref<1x128x128xf32, #tpu.memory_space<vmem>>
    %dma_start3A_53 = tpu.memref_squeeze %dma_start3A_52 : memref<1x128x128xf32, #tpu.memory_space<vmem>> -> memref<128x128xf32, #tpu.memory_space<vmem>>
    %dma_start3A_54 = arith.constant 0 : i32
    %dma_start3A_55 = tpu.memref_slice %arg5[%dma_start3A_47, %dma_start3A_54] : memref<200x128xi32, #tpu.memory_space<vmem>> -> memref<1x128xi32, #tpu.memory_space<vmem>>
    %dma_start3A_56 = tpu.memref_squeeze %dma_start3A_55 : memref<1x128xi32, #tpu.memory_space<vmem>> -> memref<128xi32, #tpu.memory_space<vmem>>
    %dma_start3A_57 = arith.constant 0 : i32
    %dma_start3A_58 = arith.constant 0 : i32
    %dma_start3A_59 = tpu.memref_slice %arg2[%dma_start3A_57, %dma_start3A_58] : memref<100000x128xf32, #tpu.memory_space<hbm>> -> memref<100000x128xf32, #tpu.memory_space<hbm>>
    %dma_start3A_60 = tpu.memref_slice %arg7[%dma_start3A_49] : memref<4x!tpu.dma_semaphore, #tpu.memory_space<semaphore_mem>> -> memref<1x!tpu.dma_semaphore, #tpu.memory_space<semaphore_mem>>
    %dma_start3A_61 = tpu.memref_squeeze %dma_start3A_60 : memref<1x!tpu.dma_semaphore, #tpu.memory_space<semaphore_mem>> -> memref<!tpu.dma_semaphore, #tpu.memory_space<semaphore_mem>>
    tpu.enqueue_indirect_dma source(%dma_start3A_59 : memref<100000x128xf32, #tpu.memory_space<hbm>>) target(%dma_start3A_53 : memref<128x128xf32, #tpu.memory_space<vmem>>) offsets(%dma_start3A_56 : memref<128xi32, #tpu.memory_space<vmem>>) semaphore(%dma_start3A_61 : memref<!tpu.dma_semaphore, #tpu.memory_space<semaphore_mem>>)
    %scan3A = arith.constant 0 : i32
    %scan3A_62 = arith.constant 49 : i32
    %scan3A_63 = arith.addi %scan3A, %scan3A_62 : i32
    %scan3A_64 = arith.constant 1 : i32
    scf.for %scan3A_261 = %scan3A to %scan3A_63 step %scan3A_64  : i32 {
      %mul3A_262 = arith.constant 1 : i32
      %mul3A_263 = arith.muli %scan3A_261, %mul3A_262 : i32
      %add3A_264 = arith.constant 0 : i32
      %add3A_265 = arith.addi %add3A_264, %mul3A_263 : i32
      %mul3A_266 = arith.constant 4 : i32
      %mul3A_267 = arith.muli %add3A_265, %mul3A_266 : i32
      %dma_wait3A_268 = arith.constant 0 : i32
      %dma_wait3A_269 = arith.constant 0 : i32
      %dma_wait3A_270 = arith.constant 0 : i32
      %dma_wait3A_271 = arith.constant 0 : i32
      %dma_wait3A_272 = arith.constant 0 : i32
      %dma_wait3A_273 = tpu.memref_slice %arg6[%dma_wait3A_269, %dma_wait3A_271, %dma_wait3A_272] : memref<4x128x128xf32, #tpu.memory_space<vmem>> -> memref<1x128x128xf32, #tpu.memory_space<vmem>>
      %dma_wait3A_274 = tpu.memref_squeeze %dma_wait3A_273 : memref<1x128x128xf32, #tpu.memory_space<vmem>> -> memref<128x128xf32, #tpu.memory_space<vmem>>
      %dma_wait3A_275 = arith.constant 0 : i32
      %dma_wait3A_276 = tpu.memref_slice %arg5[%dma_wait3A_268, %dma_wait3A_275] : memref<200x128xi32, #tpu.memory_space<vmem>> -> memref<1x128xi32, #tpu.memory_space<vmem>>
      %dma_wait3A_277 = tpu.memref_squeeze %dma_wait3A_276 : memref<1x128xi32, #tpu.memory_space<vmem>> -> memref<128xi32, #tpu.memory_space<vmem>>
      %dma_wait3A_278 = arith.constant 0 : i32
      %dma_wait3A_279 = arith.constant 0 : i32
      %dma_wait3A_280 = tpu.memref_slice %arg2[%dma_wait3A_278, %dma_wait3A_279] : memref<100000x128xf32, #tpu.memory_space<hbm>> -> memref<100000x128xf32, #tpu.memory_space<hbm>>
      %dma_wait3A_281 = tpu.memref_slice %arg7[%dma_wait3A_270] : memref<4x!tpu.dma_semaphore, #tpu.memory_space<semaphore_mem>> -> memref<1x!tpu.dma_semaphore, #tpu.memory_space<semaphore_mem>>
      %dma_wait3A_282 = tpu.memref_squeeze %dma_wait3A_281 : memref<1x!tpu.dma_semaphore, #tpu.memory_space<semaphore_mem>> -> memref<!tpu.dma_semaphore, #tpu.memory_space<semaphore_mem>>
      tpu.wait_indirect_dma semaphore(%dma_wait3A_282 : memref<!tpu.dma_semaphore, #tpu.memory_space<semaphore_mem>>) src(%dma_wait3A_280 : memref<100000x128xf32, #tpu.memory_space<hbm>>) dst(%dma_wait3A_274 : memref<128x128xf32, #tpu.memory_space<vmem>>)
      %add3A_283 = arith.constant 0 : i32
      %add3A_284 = arith.addi %mul3A_267, %add3A_283 : i32
      %mul3A_285 = arith.constant 128 : i32
      %mul3A_286 = arith.muli %add3A_284, %mul3A_285 : i32
      %add3A_287 = arith.addi %mul3A_2, %mul3A_286 : i32
      %dma_start3A_288 = arith.constant 0 : i32
      %dma_start3A_289 = arith.constant 0 : i32
      %dma_start3A_290 = arith.constant 0 : i32
      %dma_start3A_291 = arith.constant 0 : i32
      %dma_start3A_292 = tpu.memref_slice %arg6[%dma_start3A_288, %dma_start3A_290, %dma_start3A_291] : memref<4x128x128xf32, #tpu.memory_space<vmem>> -> memref<1x128x128xf32, #tpu.memory_space<vmem>>
      %dma_start3A_293 = tpu.memref_squeeze %dma_start3A_292 : memref<1x128x128xf32, #tpu.memory_space<vmem>> -> memref<128x128xf32, #tpu.memory_space<vmem>>
      %dma_start3A_294 = arith.constant 0 : i32
      %dma_start3A_295 = tpu.memref_slice %arg4[%add3A_287, %dma_start3A_294] : memref<819200x128xf32, #tpu.memory_space<hbm>> -> memref<128x128xf32, #tpu.memory_space<hbm>>
      %dma_start3A_296 = tpu.memref_slice %arg8[%dma_start3A_289] : memref<4x!tpu.dma_semaphore, #tpu.memory_space<semaphore_mem>> -> memref<1x!tpu.dma_semaphore, #tpu.memory_space<semaphore_mem>>
      %dma_start3A_297 = tpu.memref_squeeze %dma_start3A_296 : memref<1x!tpu.dma_semaphore, #tpu.memory_space<semaphore_mem>> -> memref<!tpu.dma_semaphore, #tpu.memory_space<semaphore_mem>>
      %dma_start3A_298 = arith.constant 0 : i32
      %dma_start3A_299 = tpu.memref_slice %arg4[%add3A_287, %dma_start3A_298] : memref<819200x128xf32, #tpu.memory_space<hbm>> -> memref<128x128xf32, #tpu.memory_space<hbm>>
      %dma_start3A_300 = arith.constant 0 : i32
      %dma_start3A_301 = arith.constant 0 : i32
      %dma_start3A_302 = tpu.memref_slice %arg6[%dma_start3A_288, %dma_start3A_300, %dma_start3A_301] : memref<4x128x128xf32, #tpu.memory_space<vmem>> -> memref<1x128x128xf32, #tpu.memory_space<vmem>>
      %dma_start3A_303 = tpu.memref_squeeze %dma_start3A_302 : memref<1x128x128xf32, #tpu.memory_space<vmem>> -> memref<128x128xf32, #tpu.memory_space<vmem>>
      tpu.enqueue_dma source(%dma_start3A_303 : memref<128x128xf32, #tpu.memory_space<vmem>>) target(%dma_start3A_299 : memref<128x128xf32, #tpu.memory_space<hbm>>) target_semaphore(%dma_start3A_297 : memref<!tpu.dma_semaphore, #tpu.memory_space<semaphore_mem>>)
      %dma_wait3A_304 = arith.constant 0 : i32
      %dma_wait3A_305 = arith.constant 1 : i32
      %dma_wait3A_306 = arith.constant 1 : i32
      %dma_wait3A_307 = arith.constant 0 : i32
      %dma_wait3A_308 = arith.constant 0 : i32
      %dma_wait3A_309 = tpu.memref_slice %arg6[%dma_wait3A_305, %dma_wait3A_307, %dma_wait3A_308] : memref<4x128x128xf32, #tpu.memory_space<vmem>> -> memref<1x128x128xf32, #tpu.memory_space<vmem>>
      %dma_wait3A_310 = tpu.memref_squeeze %dma_wait3A_309 : memref<1x128x128xf32, #tpu.memory_space<vmem>> -> memref<128x128xf32, #tpu.memory_space<vmem>>
      %dma_wait3A_311 = arith.constant 0 : i32
      %dma_wait3A_312 = tpu.memref_slice %arg5[%dma_wait3A_304, %dma_wait3A_311] : memref<200x128xi32, #tpu.memory_space<vmem>> -> memref<1x128xi32, #tpu.memory_space<vmem>>
      %dma_wait3A_313 = tpu.memref_squeeze %dma_wait3A_312 : memref<1x128xi32, #tpu.memory_space<vmem>> -> memref<128xi32, #tpu.memory_space<vmem>>
      %dma_wait3A_314 = arith.constant 0 : i32
      %dma_wait3A_315 = arith.constant 0 : i32
      %dma_wait3A_316 = tpu.memref_slice %arg2[%dma_wait3A_314, %dma_wait3A_315] : memref<100000x128xf32, #tpu.memory_space<hbm>> -> memref<100000x128xf32, #tpu.memory_space<hbm>>
      %dma_wait3A_317 = tpu.memref_slice %arg7[%dma_wait3A_306] : memref<4x!tpu.dma_semaphore, #tpu.memory_space<semaphore_mem>> -> memref<1x!tpu.dma_semaphore, #tpu.memory_space<semaphore_mem>>
      %dma_wait3A_318 = tpu.memref_squeeze %dma_wait3A_317 : memref<1x!tpu.dma_semaphore, #tpu.memory_space<semaphore_mem>> -> memref<!tpu.dma_semaphore, #tpu.memory_space<semaphore_mem>>
      tpu.wait_indirect_dma semaphore(%dma_wait3A_318 : memref<!tpu.dma_semaphore, #tpu.memory_space<semaphore_mem>>) src(%dma_wait3A_316 : memref<100000x128xf32, #tpu.memory_space<hbm>>) dst(%dma_wait3A_310 : memref<128x128xf32, #tpu.memory_space<vmem>>)
      %add3A_319 = arith.constant 1 : i32
      %add3A_320 = arith.addi %mul3A_267, %add3A_319 : i32
      %mul3A_321 = arith.constant 128 : i32
      %mul3A_322 = arith.muli %add3A_320, %mul3A_321 : i32
      %add3A_323 = arith.addi %mul3A_2, %mul3A_322 : i32
      %dma_start3A_324 = arith.constant 1 : i32
      %dma_start3A_325 = arith.constant 1 : i32
      %dma_start3A_326 = arith.constant 0 : i32
      %dma_start3A_327 = arith.constant 0 : i32
      %dma_start3A_328 = tpu.memref_slice %arg6[%dma_start3A_324, %dma_start3A_326, %dma_start3A_327] : memref<4x128x128xf32, #tpu.memory_space<vmem>> -> memref<1x128x128xf32, #tpu.memory_space<vmem>>
      %dma_start3A_329 = tpu.memref_squeeze %dma_start3A_328 : memref<1x128x128xf32, #tpu.memory_space<vmem>> -> memref<128x128xf32, #tpu.memory_space<vmem>>
      %dma_start3A_330 = arith.constant 0 : i32
      %dma_start3A_331 = tpu.memref_slice %arg4[%add3A_323, %dma_start3A_330] : memref<819200x128xf32, #tpu.memory_space<hbm>> -> memref<128x128xf32, #tpu.memory_space<hbm>>
      %dma_start3A_332 = tpu.memref_slice %arg8[%dma_start3A_325] : memref<4x!tpu.dma_semaphore, #tpu.memory_space<semaphore_mem>> -> memref<1x!tpu.dma_semaphore, #tpu.memory_space<semaphore_mem>>
      %dma_start3A_333 = tpu.memref_squeeze %dma_start3A_332 : memref<1x!tpu.dma_semaphore, #tpu.memory_space<semaphore_mem>> -> memref<!tpu.dma_semaphore, #tpu.memory_space<semaphore_mem>>
      %dma_start3A_334 = arith.constant 0 : i32
      %dma_start3A_335 = tpu.memref_slice %arg4[%add3A_323, %dma_start3A_334] : memref<819200x128xf32, #tpu.memory_space<hbm>> -> memref<128x128xf32, #tpu.memory_space<hbm>>
      %dma_start3A_336 = arith.constant 0 : i32
      %dma_start3A_337 = arith.constant 0 : i32
      %dma_start3A_338 = tpu.memref_slice %arg6[%dma_start3A_324, %dma_start3A_336, %dma_start3A_337] : memref<4x128x128xf32, #tpu.memory_space<vmem>> -> memref<1x128x128xf32, #tpu.memory_space<vmem>>
      %dma_start3A_339 = tpu.memref_squeeze %dma_start3A_338 : memref<1x128x128xf32, #tpu.memory_space<vmem>> -> memref<128x128xf32, #tpu.memory_space<vmem>>
      tpu.enqueue_dma source(%dma_start3A_339 : memref<128x128xf32, #tpu.memory_space<vmem>>) target(%dma_start3A_335 : memref<128x128xf32, #tpu.memory_space<hbm>>) target_semaphore(%dma_start3A_333 : memref<!tpu.dma_semaphore, #tpu.memory_space<semaphore_mem>>)
      %dma_wait3A_340 = arith.constant 0 : i32
      %dma_wait3A_341 = arith.constant 2 : i32
      %dma_wait3A_342 = arith.constant 2 : i32
      %dma_wait3A_343 = arith.constant 0 : i32
      %dma_wait3A_344 = arith.constant 0 : i32
      %dma_wait3A_345 = tpu.memref_slice %arg6[%dma_wait3A_341, %dma_wait3A_343, %dma_wait3A_344] : memref<4x128x128xf32, #tpu.memory_space<vmem>> -> memref<1x128x128xf32, #tpu.memory_space<vmem>>
      %dma_wait3A_346 = tpu.memref_squeeze %dma_wait3A_345 : memref<1x128x128xf32, #tpu.memory_space<vmem>> -> memref<128x128xf32, #tpu.memory_space<vmem>>
      %dma_wait3A_347 = arith.constant 0 : i32
      %dma_wait3A_348 = tpu.memref_slice %arg5[%dma_wait3A_340, %dma_wait3A_347] : memref<200x128xi32, #tpu.memory_space<vmem>> -> memref<1x128xi32, #tpu.memory_space<vmem>>
      %dma_wait3A_349 = tpu.memref_squeeze %dma_wait3A_348 : memref<1x128xi32, #tpu.memory_space<vmem>> -> memref<128xi32, #tpu.memory_space<vmem>>
      %dma_wait3A_350 = arith.constant 0 : i32
      %dma_wait3A_351 = arith.constant 0 : i32
      %dma_wait3A_352 = tpu.memref_slice %arg2[%dma_wait3A_350, %dma_wait3A_351] : memref<100000x128xf32, #tpu.memory_space<hbm>> -> memref<100000x128xf32, #tpu.memory_space<hbm>>
      %dma_wait3A_353 = tpu.memref_slice %arg7[%dma_wait3A_342] : memref<4x!tpu.dma_semaphore, #tpu.memory_space<semaphore_mem>> -> memref<1x!tpu.dma_semaphore, #tpu.memory_space<semaphore_mem>>
      %dma_wait3A_354 = tpu.memref_squeeze %dma_wait3A_353 : memref<1x!tpu.dma_semaphore, #tpu.memory_space<semaphore_mem>> -> memref<!tpu.dma_semaphore, #tpu.memory_space<semaphore_mem>>
      tpu.wait_indirect_dma semaphore(%dma_wait3A_354 : memref<!tpu.dma_semaphore, #tpu.memory_space<semaphore_mem>>) src(%dma_wait3A_352 : memref<100000x128xf32, #tpu.memory_space<hbm>>) dst(%dma_wait3A_346 : memref<128x128xf32, #tpu.memory_space<vmem>>)
      %add3A_355 = arith.constant 2 : i32
      %add3A_356 = arith.addi %mul3A_267, %add3A_355 : i32
      %mul3A_357 = arith.constant 128 : i32
      %mul3A_358 = arith.muli %add3A_356, %mul3A_357 : i32
      %add3A_359 = arith.addi %mul3A_2, %mul3A_358 : i32
      %dma_start3A_360 = arith.constant 2 : i32
      %dma_start3A_361 = arith.constant 2 : i32
      %dma_start3A_362 = arith.constant 0 : i32
      %dma_start3A_363 = arith.constant 0 : i32
      %dma_start3A_364 = tpu.memref_slice %arg6[%dma_start3A_360, %dma_start3A_362, %dma_start3A_363] : memref<4x128x128xf32, #tpu.memory_space<vmem>> -> memref<1x128x128xf32, #tpu.memory_space<vmem>>
      %dma_start3A_365 = tpu.memref_squeeze %dma_start3A_364 : memref<1x128x128xf32, #tpu.memory_space<vmem>> -> memref<128x128xf32, #tpu.memory_space<vmem>>
      %dma_start3A_366 = arith.constant 0 : i32
      %dma_start3A_367 = tpu.memref_slice %arg4[%add3A_359, %dma_start3A_366] : memref<819200x128xf32, #tpu.memory_space<hbm>> -> memref<128x128xf32, #tpu.memory_space<hbm>>
      %dma_start3A_368 = tpu.memref_slice %arg8[%dma_start3A_361] : memref<4x!tpu.dma_semaphore, #tpu.memory_space<semaphore_mem>> -> memref<1x!tpu.dma_semaphore, #tpu.memory_space<semaphore_mem>>
      %dma_start3A_369 = tpu.memref_squeeze %dma_start3A_368 : memref<1x!tpu.dma_semaphore, #tpu.memory_space<semaphore_mem>> -> memref<!tpu.dma_semaphore, #tpu.memory_space<semaphore_mem>>
      %dma_start3A_370 = arith.constant 0 : i32
      %dma_start3A_371 = tpu.memref_slice %arg4[%add3A_359, %dma_start3A_370] : memref<819200x128xf32, #tpu.memory_space<hbm>> -> memref<128x128xf32, #tpu.memory_space<hbm>>
      %dma_start3A_372 = arith.constant 0 : i32
      %dma_start3A_373 = arith.constant 0 : i32
      %dma_start3A_374 = tpu.memref_slice %arg6[%dma_start3A_360, %dma_start3A_372, %dma_start3A_373] : memref<4x128x128xf32, #tpu.memory_space<vmem>> -> memref<1x128x128xf32, #tpu.memory_space<vmem>>
      %dma_start3A_375 = tpu.memref_squeeze %dma_start3A_374 : memref<1x128x128xf32, #tpu.memory_space<vmem>> -> memref<128x128xf32, #tpu.memory_space<vmem>>
      tpu.enqueue_dma source(%dma_start3A_375 : memref<128x128xf32, #tpu.memory_space<vmem>>) target(%dma_start3A_371 : memref<128x128xf32, #tpu.memory_space<hbm>>) target_semaphore(%dma_start3A_369 : memref<!tpu.dma_semaphore, #tpu.memory_space<semaphore_mem>>)
      %dma_wait3A_376 = arith.constant 0 : i32
      %dma_wait3A_377 = arith.constant 3 : i32
      %dma_wait3A_378 = arith.constant 3 : i32
      %dma_wait3A_379 = arith.constant 0 : i32
      %dma_wait3A_380 = arith.constant 0 : i32
      %dma_wait3A_381 = tpu.memref_slice %arg6[%dma_wait3A_377, %dma_wait3A_379, %dma_wait3A_380] : memref<4x128x128xf32, #tpu.memory_space<vmem>> -> memref<1x128x128xf32, #tpu.memory_space<vmem>>
      %dma_wait3A_382 = tpu.memref_squeeze %dma_wait3A_381 : memref<1x128x128xf32, #tpu.memory_space<vmem>> -> memref<128x128xf32, #tpu.memory_space<vmem>>
      %dma_wait3A_383 = arith.constant 0 : i32
      %dma_wait3A_384 = tpu.memref_slice %arg5[%dma_wait3A_376, %dma_wait3A_383] : memref<200x128xi32, #tpu.memory_space<vmem>> -> memref<1x128xi32, #tpu.memory_space<vmem>>
      %dma_wait3A_385 = tpu.memref_squeeze %dma_wait3A_384 : memref<1x128xi32, #tpu.memory_space<vmem>> -> memref<128xi32, #tpu.memory_space<vmem>>
      %dma_wait3A_386 = arith.constant 0 : i32
      %dma_wait3A_387 = arith.constant 0 : i32
      %dma_wait3A_388 = tpu.memref_slice %arg2[%dma_wait3A_386, %dma_wait3A_387] : memref<100000x128xf32, #tpu.memory_space<hbm>> -> memref<100000x128xf32, #tpu.memory_space<hbm>>
      %dma_wait3A_389 = tpu.memref_slice %arg7[%dma_wait3A_378] : memref<4x!tpu.dma_semaphore, #tpu.memory_space<semaphore_mem>> -> memref<1x!tpu.dma_semaphore, #tpu.memory_space<semaphore_mem>>
      %dma_wait3A_390 = tpu.memref_squeeze %dma_wait3A_389 : memref<1x!tpu.dma_semaphore, #tpu.memory_space<semaphore_mem>> -> memref<!tpu.dma_semaphore, #tpu.memory_space<semaphore_mem>>
      tpu.wait_indirect_dma semaphore(%dma_wait3A_390 : memref<!tpu.dma_semaphore, #tpu.memory_space<semaphore_mem>>) src(%dma_wait3A_388 : memref<100000x128xf32, #tpu.memory_space<hbm>>) dst(%dma_wait3A_382 : memref<128x128xf32, #tpu.memory_space<vmem>>)
      %add3A_391 = arith.constant 3 : i32
      %add3A_392 = arith.addi %mul3A_267, %add3A_391 : i32
      %mul3A_393 = arith.constant 128 : i32
      %mul3A_394 = arith.muli %add3A_392, %mul3A_393 : i32
      %add3A_395 = arith.addi %mul3A_2, %mul3A_394 : i32
      %dma_start3A_396 = arith.constant 3 : i32
      %dma_start3A_397 = arith.constant 3 : i32
      %dma_start3A_398 = arith.constant 0 : i32
      %dma_start3A_399 = arith.constant 0 : i32
      %dma_start3A_400 = tpu.memref_slice %arg6[%dma_start3A_396, %dma_start3A_398, %dma_start3A_399] : memref<4x128x128xf32, #tpu.memory_space<vmem>> -> memref<1x128x128xf32, #tpu.memory_space<vmem>>
      %dma_start3A_401 = tpu.memref_squeeze %dma_start3A_400 : memref<1x128x128xf32, #tpu.memory_space<vmem>> -> memref<128x128xf32, #tpu.memory_space<vmem>>
      %dma_start3A_402 = arith.constant 0 : i32
      %dma_start3A_403 = tpu.memref_slice %arg4[%add3A_395, %dma_start3A_402] : memref<819200x128xf32, #tpu.memory_space<hbm>> -> memref<128x128xf32, #tpu.memory_space<hbm>>
      %dma_start3A_404 = tpu.memref_slice %arg8[%dma_start3A_397] : memref<4x!tpu.dma_semaphore, #tpu.memory_space<semaphore_mem>> -> memref<1x!tpu.dma_semaphore, #tpu.memory_space<semaphore_mem>>
      %dma_start3A_405 = tpu.memref_squeeze %dma_start3A_404 : memref<1x!tpu.dma_semaphore, #tpu.memory_space<semaphore_mem>> -> memref<!tpu.dma_semaphore, #tpu.memory_space<semaphore_mem>>
      %dma_start3A_406 = arith.constant 0 : i32
      %dma_start3A_407 = tpu.memref_slice %arg4[%add3A_395, %dma_start3A_406] : memref<819200x128xf32, #tpu.memory_space<hbm>> -> memref<128x128xf32, #tpu.memory_space<hbm>>
      %dma_start3A_408 = arith.constant 0 : i32
      %dma_start3A_409 = arith.constant 0 : i32
      %dma_start3A_410 = tpu.memref_slice %arg6[%dma_start3A_396, %dma_start3A_408, %dma_start3A_409] : memref<4x128x128xf32, #tpu.memory_space<vmem>> -> memref<1x128x128xf32, #tpu.memory_space<vmem>>
      %dma_start3A_411 = tpu.memref_squeeze %dma_start3A_410 : memref<1x128x128xf32, #tpu.memory_space<vmem>> -> memref<128x128xf32, #tpu.memory_space<vmem>>
      tpu.enqueue_dma source(%dma_start3A_411 : memref<128x128xf32, #tpu.memory_space<vmem>>) target(%dma_start3A_407 : memref<128x128xf32, #tpu.memory_space<hbm>>) target_semaphore(%dma_start3A_405 : memref<!tpu.dma_semaphore, #tpu.memory_space<semaphore_mem>>)
      %dma_wait3A_412 = arith.constant 0 : i32
      %dma_wait3A_413 = arith.constant 0 : i32
      %dma_wait3A_414 = arith.constant 0 : i32
      %dma_wait3A_415 = arith.constant 0 : i32
      %dma_wait3A_416 = tpu.memref_slice %arg6[%dma_wait3A_412, %dma_wait3A_414, %dma_wait3A_415] : memref<4x128x128xf32, #tpu.memory_space<vmem>> -> memref<1x128x128xf32, #tpu.memory_space<vmem>>
      %dma_wait3A_417 = tpu.memref_squeeze %dma_wait3A_416 : memref<1x128x128xf32, #tpu.memory_space<vmem>> -> memref<128x128xf32, #tpu.memory_space<vmem>>
      %dma_wait3A_418 = arith.constant 0 : i32
      %dma_wait3A_419 = tpu.memref_slice %arg4[%mul3A_2, %dma_wait3A_418] : memref<819200x128xf32, #tpu.memory_space<hbm>> -> memref<128x128xf32, #tpu.memory_space<hbm>>
      %dma_wait3A_420 = tpu.memref_slice %arg8[%dma_wait3A_413] : memref<4x!tpu.dma_semaphore, #tpu.memory_space<semaphore_mem>> -> memref<1x!tpu.dma_semaphore, #tpu.memory_space<semaphore_mem>>
      %dma_wait3A_421 = tpu.memref_squeeze %dma_wait3A_420 : memref<1x!tpu.dma_semaphore, #tpu.memory_space<semaphore_mem>> -> memref<!tpu.dma_semaphore, #tpu.memory_space<semaphore_mem>>
      %dma_wait3A_422 = arith.constant 0 : i32
      %dma_wait3A_423 = tpu.memref_slice %arg4[%mul3A_2, %dma_wait3A_422] : memref<819200x128xf32, #tpu.memory_space<hbm>> -> memref<128x128xf32, #tpu.memory_space<hbm>>
      %dma_wait3A_424 = arith.constant 0 : i32
      %dma_wait3A_425 = arith.constant 0 : i32
      %dma_wait3A_426 = tpu.memref_slice %arg6[%dma_wait3A_412, %dma_wait3A_424, %dma_wait3A_425] : memref<4x128x128xf32, #tpu.memory_space<vmem>> -> memref<1x128x128xf32, #tpu.memory_space<vmem>>
      %dma_wait3A_427 = tpu.memref_squeeze %dma_wait3A_426 : memref<1x128x128xf32, #tpu.memory_space<vmem>> -> memref<128x128xf32, #tpu.memory_space<vmem>>
      tpu.wait_dma2 semaphore(%dma_wait3A_421 : memref<!tpu.dma_semaphore, #tpu.memory_space<semaphore_mem>>) src(%dma_wait3A_427 : memref<128x128xf32, #tpu.memory_space<vmem>>) dst(%dma_wait3A_423 : memref<128x128xf32, #tpu.memory_space<hbm>>)
      %add3A_428 = arith.constant 4 : i32
      %add3A_429 = arith.addi %mul3A_267, %add3A_428 : i32
      %add3A_430 = arith.constant 0 : i32
      %add3A_431 = arith.addi %add3A_429, %add3A_430 : i32
      %dma_start3A_432 = arith.constant 0 : i32
      %dma_start3A_433 = arith.constant 0 : i32
      %dma_start3A_434 = arith.constant 0 : i32
      %dma_start3A_435 = arith.constant 0 : i32
      %dma_start3A_436 = tpu.memref_slice %arg6[%dma_start3A_432, %dma_start3A_434, %dma_start3A_435] : memref<4x128x128xf32, #tpu.memory_space<vmem>> -> memref<1x128x128xf32, #tpu.memory_space<vmem>>
      %dma_start3A_437 = tpu.memref_squeeze %dma_start3A_436 : memref<1x128x128xf32, #tpu.memory_space<vmem>> -> memref<128x128xf32, #tpu.memory_space<vmem>>
      %dma_start3A_438 = arith.constant 0 : i32
      %dma_start3A_439 = tpu.memref_slice %arg5[%add3A_431, %dma_start3A_438] : memref<200x128xi32, #tpu.memory_space<vmem>> -> memref<1x128xi32, #tpu.memory_space<vmem>>
      %dma_start3A_440 = tpu.memref_squeeze %dma_start3A_439 : memref<1x128xi32, #tpu.memory_space<vmem>> -> memref<128xi32, #tpu.memory_space<vmem>>
      %dma_start3A_441 = arith.constant 0 : i32
      %dma_start3A_442 = arith.constant 0 : i32
      %dma_start3A_443 = tpu.memref_slice %arg2[%dma_start3A_441, %dma_start3A_442] : memref<100000x128xf32, #tpu.memory_space<hbm>> -> memref<100000x128xf32, #tpu.memory_space<hbm>>
      %dma_start3A_444 = tpu.memref_slice %arg7[%dma_start3A_433] : memref<4x!tpu.dma_semaphore, #tpu.memory_space<semaphore_mem>> -> memref<1x!tpu.dma_semaphore, #tpu.memory_space<semaphore_mem>>
      %dma_start3A_445 = tpu.memref_squeeze %dma_start3A_444 : memref<1x!tpu.dma_semaphore, #tpu.memory_space<semaphore_mem>> -> memref<!tpu.dma_semaphore, #tpu.memory_space<semaphore_mem>>
      tpu.enqueue_indirect_dma source(%dma_start3A_443 : memref<100000x128xf32, #tpu.memory_space<hbm>>) target(%dma_start3A_437 : memref<128x128xf32, #tpu.memory_space<vmem>>) offsets(%dma_start3A_440 : memref<128xi32, #tpu.memory_space<vmem>>) semaphore(%dma_start3A_445 : memref<!tpu.dma_semaphore, #tpu.memory_space<semaphore_mem>>)
      %dma_wait3A_446 = arith.constant 1 : i32
      %dma_wait3A_447 = arith.constant 1 : i32
      %dma_wait3A_448 = arith.constant 0 : i32
      %dma_wait3A_449 = arith.constant 0 : i32
      %dma_wait3A_450 = tpu.memref_slice %arg6[%dma_wait3A_446, %dma_wait3A_448, %dma_wait3A_449] : memref<4x128x128xf32, #tpu.memory_space<vmem>> -> memref<1x128x128xf32, #tpu.memory_space<vmem>>
      %dma_wait3A_451 = tpu.memref_squeeze %dma_wait3A_450 : memref<1x128x128xf32, #tpu.memory_space<vmem>> -> memref<128x128xf32, #tpu.memory_space<vmem>>
      %dma_wait3A_452 = arith.constant 0 : i32
      %dma_wait3A_453 = tpu.memref_slice %arg4[%mul3A_2, %dma_wait3A_452] : memref<819200x128xf32, #tpu.memory_space<hbm>> -> memref<128x128xf32, #tpu.memory_space<hbm>>
      %dma_wait3A_454 = tpu.memref_slice %arg8[%dma_wait3A_447] : memref<4x!tpu.dma_semaphore, #tpu.memory_space<semaphore_mem>> -> memref<1x!tpu.dma_semaphore, #tpu.memory_space<semaphore_mem>>
      %dma_wait3A_455 = tpu.memref_squeeze %dma_wait3A_454 : memref<1x!tpu.dma_semaphore, #tpu.memory_space<semaphore_mem>> -> memref<!tpu.dma_semaphore, #tpu.memory_space<semaphore_mem>>
      %dma_wait3A_456 = arith.constant 0 : i32
      %dma_wait3A_457 = tpu.memref_slice %arg4[%mul3A_2, %dma_wait3A_456] : memref<819200x128xf32, #tpu.memory_space<hbm>> -> memref<128x128xf32, #tpu.memory_space<hbm>>
      %dma_wait3A_458 = arith.constant 0 : i32
      %dma_wait3A_459 = arith.constant 0 : i32
      %dma_wait3A_460 = tpu.memref_slice %arg6[%dma_wait3A_446, %dma_wait3A_458, %dma_wait3A_459] : memref<4x128x128xf32, #tpu.memory_space<vmem>> -> memref<1x128x128xf32, #tpu.memory_space<vmem>>
      %dma_wait3A_461 = tpu.memref_squeeze %dma_wait3A_460 : memref<1x128x128xf32, #tpu.memory_space<vmem>> -> memref<128x128xf32, #tpu.memory_space<vmem>>
      tpu.wait_dma2 semaphore(%dma_wait3A_455 : memref<!tpu.dma_semaphore, #tpu.memory_space<semaphore_mem>>) src(%dma_wait3A_461 : memref<128x128xf32, #tpu.memory_space<vmem>>) dst(%dma_wait3A_457 : memref<128x128xf32, #tpu.memory_space<hbm>>)
      %add3A_462 = arith.constant 4 : i32
      %add3A_463 = arith.addi %mul3A_267, %add3A_462 : i32
      %add3A_464 = arith.constant 1 : i32
      %add3A_465 = arith.addi %add3A_463, %add3A_464 : i32
      %dma_start3A_466 = arith.constant 1 : i32
      %dma_start3A_467 = arith.constant 1 : i32
      %dma_start3A_468 = arith.constant 0 : i32
      %dma_start3A_469 = arith.constant 0 : i32
      %dma_start3A_470 = tpu.memref_slice %arg6[%dma_start3A_466, %dma_start3A_468, %dma_start3A_469] : memref<4x128x128xf32, #tpu.memory_space<vmem>> -> memref<1x128x128xf32, #tpu.memory_space<vmem>>
      %dma_start3A_471 = tpu.memref_squeeze %dma_start3A_470 : memref<1x128x128xf32, #tpu.memory_space<vmem>> -> memref<128x128xf32, #tpu.memory_space<vmem>>
      %dma_start3A_472 = arith.constant 0 : i32
      %dma_start3A_473 = tpu.memref_slice %arg5[%add3A_465, %dma_start3A_472] : memref<200x128xi32, #tpu.memory_space<vmem>> -> memref<1x128xi32, #tpu.memory_space<vmem>>
      %dma_start3A_474 = tpu.memref_squeeze %dma_start3A_473 : memref<1x128xi32, #tpu.memory_space<vmem>> -> memref<128xi32, #tpu.memory_space<vmem>>
      %dma_start3A_475 = arith.constant 0 : i32
      %dma_start3A_476 = arith.constant 0 : i32
      %dma_start3A_477 = tpu.memref_slice %arg2[%dma_start3A_475, %dma_start3A_476] : memref<100000x128xf32, #tpu.memory_space<hbm>> -> memref<100000x128xf32, #tpu.memory_space<hbm>>
      %dma_start3A_478 = tpu.memref_slice %arg7[%dma_start3A_467] : memref<4x!tpu.dma_semaphore, #tpu.memory_space<semaphore_mem>> -> memref<1x!tpu.dma_semaphore, #tpu.memory_space<semaphore_mem>>
      %dma_start3A_479 = tpu.memref_squeeze %dma_start3A_478 : memref<1x!tpu.dma_semaphore, #tpu.memory_space<semaphore_mem>> -> memref<!tpu.dma_semaphore, #tpu.memory_space<semaphore_mem>>
      tpu.enqueue_indirect_dma source(%dma_start3A_477 : memref<100000x128xf32, #tpu.memory_space<hbm>>) target(%dma_start3A_471 : memref<128x128xf32, #tpu.memory_space<vmem>>) offsets(%dma_start3A_474 : memref<128xi32, #tpu.memory_space<vmem>>) semaphore(%dma_start3A_479 : memref<!tpu.dma_semaphore, #tpu.memory_space<semaphore_mem>>)
      %dma_wait3A_480 = arith.constant 2 : i32
      %dma_wait3A_481 = arith.constant 2 : i32
      %dma_wait3A_482 = arith.constant 0 : i32
      %dma_wait3A_483 = arith.constant 0 : i32
      %dma_wait3A_484 = tpu.memref_slice %arg6[%dma_wait3A_480, %dma_wait3A_482, %dma_wait3A_483] : memref<4x128x128xf32, #tpu.memory_space<vmem>> -> memref<1x128x128xf32, #tpu.memory_space<vmem>>
      %dma_wait3A_485 = tpu.memref_squeeze %dma_wait3A_484 : memref<1x128x128xf32, #tpu.memory_space<vmem>> -> memref<128x128xf32, #tpu.memory_space<vmem>>
      %dma_wait3A_486 = arith.constant 0 : i32
      %dma_wait3A_487 = tpu.memref_slice %arg4[%mul3A_2, %dma_wait3A_486] : memref<819200x128xf32, #tpu.memory_space<hbm>> -> memref<128x128xf32, #tpu.memory_space<hbm>>
      %dma_wait3A_488 = tpu.memref_slice %arg8[%dma_wait3A_481] : memref<4x!tpu.dma_semaphore, #tpu.memory_space<semaphore_mem>> -> memref<1x!tpu.dma_semaphore, #tpu.memory_space<semaphore_mem>>
      %dma_wait3A_489 = tpu.memref_squeeze %dma_wait3A_488 : memref<1x!tpu.dma_semaphore, #tpu.memory_space<semaphore_mem>> -> memref<!tpu.dma_semaphore, #tpu.memory_space<semaphore_mem>>
      %dma_wait3A_490 = arith.constant 0 : i32
      %dma_wait3A_491 = tpu.memref_slice %arg4[%mul3A_2, %dma_wait3A_490] : memref<819200x128xf32, #tpu.memory_space<hbm>> -> memref<128x128xf32, #tpu.memory_space<hbm>>
      %dma_wait3A_492 = arith.constant 0 : i32
      %dma_wait3A_493 = arith.constant 0 : i32
      %dma_wait3A_494 = tpu.memref_slice %arg6[%dma_wait3A_480, %dma_wait3A_492, %dma_wait3A_493] : memref<4x128x128xf32, #tpu.memory_space<vmem>> -> memref<1x128x128xf32, #tpu.memory_space<vmem>>
      %dma_wait3A_495 = tpu.memref_squeeze %dma_wait3A_494 : memref<1x128x128xf32, #tpu.memory_space<vmem>> -> memref<128x128xf32, #tpu.memory_space<vmem>>
      tpu.wait_dma2 semaphore(%dma_wait3A_489 : memref<!tpu.dma_semaphore, #tpu.memory_space<semaphore_mem>>) src(%dma_wait3A_495 : memref<128x128xf32, #tpu.memory_space<vmem>>) dst(%dma_wait3A_491 : memref<128x128xf32, #tpu.memory_space<hbm>>)
      %add3A_496 = arith.constant 4 : i32
      %add3A_497 = arith.addi %mul3A_267, %add3A_496 : i32
      %add3A_498 = arith.constant 2 : i32
      %add3A_499 = arith.addi %add3A_497, %add3A_498 : i32
      %dma_start3A_500 = arith.constant 2 : i32
      %dma_start3A_501 = arith.constant 2 : i32
      %dma_start3A_502 = arith.constant 0 : i32
      %dma_start3A_503 = arith.constant 0 : i32
      %dma_start3A_504 = tpu.memref_slice %arg6[%dma_start3A_500, %dma_start3A_502, %dma_start3A_503] : memref<4x128x128xf32, #tpu.memory_space<vmem>> -> memref<1x128x128xf32, #tpu.memory_space<vmem>>
      %dma_start3A_505 = tpu.memref_squeeze %dma_start3A_504 : memref<1x128x128xf32, #tpu.memory_space<vmem>> -> memref<128x128xf32, #tpu.memory_space<vmem>>
      %dma_start3A_506 = arith.constant 0 : i32
      %dma_start3A_507 = tpu.memref_slice %arg5[%add3A_499, %dma_start3A_506] : memref<200x128xi32, #tpu.memory_space<vmem>> -> memref<1x128xi32, #tpu.memory_space<vmem>>
      %dma_start3A_508 = tpu.memref_squeeze %dma_start3A_507 : memref<1x128xi32, #tpu.memory_space<vmem>> -> memref<128xi32, #tpu.memory_space<vmem>>
      %dma_start3A_509 = arith.constant 0 : i32
      %dma_start3A_510 = arith.constant 0 : i32
      %dma_start3A_511 = tpu.memref_slice %arg2[%dma_start3A_509, %dma_start3A_510] : memref<100000x128xf32, #tpu.memory_space<hbm>> -> memref<100000x128xf32, #tpu.memory_space<hbm>>
      %dma_start3A_512 = tpu.memref_slice %arg7[%dma_start3A_501] : memref<4x!tpu.dma_semaphore, #tpu.memory_space<semaphore_mem>> -> memref<1x!tpu.dma_semaphore, #tpu.memory_space<semaphore_mem>>
      %dma_start3A_513 = tpu.memref_squeeze %dma_start3A_512 : memref<1x!tpu.dma_semaphore, #tpu.memory_space<semaphore_mem>> -> memref<!tpu.dma_semaphore, #tpu.memory_space<semaphore_mem>>
      tpu.enqueue_indirect_dma source(%dma_start3A_511 : memref<100000x128xf32, #tpu.memory_space<hbm>>) target(%dma_start3A_505 : memref<128x128xf32, #tpu.memory_space<vmem>>) offsets(%dma_start3A_508 : memref<128xi32, #tpu.memory_space<vmem>>) semaphore(%dma_start3A_513 : memref<!tpu.dma_semaphore, #tpu.memory_space<semaphore_mem>>)
      %dma_wait3A_514 = arith.constant 3 : i32
      %dma_wait3A_515 = arith.constant 3 : i32
      %dma_wait3A_516 = arith.constant 0 : i32
      %dma_wait3A_517 = arith.constant 0 : i32
      %dma_wait3A_518 = tpu.memref_slice %arg6[%dma_wait3A_514, %dma_wait3A_516, %dma_wait3A_517] : memref<4x128x128xf32, #tpu.memory_space<vmem>> -> memref<1x128x128xf32, #tpu.memory_space<vmem>>
      %dma_wait3A_519 = tpu.memref_squeeze %dma_wait3A_518 : memref<1x128x128xf32, #tpu.memory_space<vmem>> -> memref<128x128xf32, #tpu.memory_space<vmem>>
      %dma_wait3A_520 = arith.constant 0 : i32
      %dma_wait3A_521 = tpu.memref_slice %arg4[%mul3A_2, %dma_wait3A_520] : memref<819200x128xf32, #tpu.memory_space<hbm>> -> memref<128x128xf32, #tpu.memory_space<hbm>>
      %dma_wait3A_522 = tpu.memref_slice %arg8[%dma_wait3A_515] : memref<4x!tpu.dma_semaphore, #tpu.memory_space<semaphore_mem>> -> memref<1x!tpu.dma_semaphore, #tpu.memory_space<semaphore_mem>>
      %dma_wait3A_523 = tpu.memref_squeeze %dma_wait3A_522 : memref<1x!tpu.dma_semaphore, #tpu.memory_space<semaphore_mem>> -> memref<!tpu.dma_semaphore, #tpu.memory_space<semaphore_mem>>
      %dma_wait3A_524 = arith.constant 0 : i32
      %dma_wait3A_525 = tpu.memref_slice %arg4[%mul3A_2, %dma_wait3A_524] : memref<819200x128xf32, #tpu.memory_space<hbm>> -> memref<128x128xf32, #tpu.memory_space<hbm>>
      %dma_wait3A_526 = arith.constant 0 : i32
      %dma_wait3A_527 = arith.constant 0 : i32
      %dma_wait3A_528 = tpu.memref_slice %arg6[%dma_wait3A_514, %dma_wait3A_526, %dma_wait3A_527] : memref<4x128x128xf32, #tpu.memory_space<vmem>> -> memref<1x128x128xf32, #tpu.memory_space<vmem>>
      %dma_wait3A_529 = tpu.memref_squeeze %dma_wait3A_528 : memref<1x128x128xf32, #tpu.memory_space<vmem>> -> memref<128x128xf32, #tpu.memory_space<vmem>>
      tpu.wait_dma2 semaphore(%dma_wait3A_523 : memref<!tpu.dma_semaphore, #tpu.memory_space<semaphore_mem>>) src(%dma_wait3A_529 : memref<128x128xf32, #tpu.memory_space<vmem>>) dst(%dma_wait3A_525 : memref<128x128xf32, #tpu.memory_space<hbm>>)
      %add3A_530 = arith.constant 4 : i32
      %add3A_531 = arith.addi %mul3A_267, %add3A_530 : i32
      %add3A_532 = arith.constant 3 : i32
      %add3A_533 = arith.addi %add3A_531, %add3A_532 : i32
      %dma_start3A_534 = arith.constant 3 : i32
      %dma_start3A_535 = arith.constant 3 : i32
      %dma_start3A_536 = arith.constant 0 : i32
      %dma_start3A_537 = arith.constant 0 : i32
      %dma_start3A_538 = tpu.memref_slice %arg6[%dma_start3A_534, %dma_start3A_536, %dma_start3A_537] : memref<4x128x128xf32, #tpu.memory_space<vmem>> -> memref<1x128x128xf32, #tpu.memory_space<vmem>>
      %dma_start3A_539 = tpu.memref_squeeze %dma_start3A_538 : memref<1x128x128xf32, #tpu.memory_space<vmem>> -> memref<128x128xf32, #tpu.memory_space<vmem>>
      %dma_start3A_540 = arith.constant 0 : i32
      %dma_start3A_541 = tpu.memref_slice %arg5[%add3A_533, %dma_start3A_540] : memref<200x128xi32, #tpu.memory_space<vmem>> -> memref<1x128xi32, #tpu.memory_space<vmem>>
      %dma_start3A_542 = tpu.memref_squeeze %dma_start3A_541 : memref<1x128xi32, #tpu.memory_space<vmem>> -> memref<128xi32, #tpu.memory_space<vmem>>
      %dma_start3A_543 = arith.constant 0 : i32
      %dma_start3A_544 = arith.constant 0 : i32
      %dma_start3A_545 = tpu.memref_slice %arg2[%dma_start3A_543, %dma_start3A_544] : memref<100000x128xf32, #tpu.memory_space<hbm>> -> memref<100000x128xf32, #tpu.memory_space<hbm>>
      %dma_start3A_546 = tpu.memref_slice %arg7[%dma_start3A_535] : memref<4x!tpu.dma_semaphore, #tpu.memory_space<semaphore_mem>> -> memref<1x!tpu.dma_semaphore, #tpu.memory_space<semaphore_mem>>
      %dma_start3A_547 = tpu.memref_squeeze %dma_start3A_546 : memref<1x!tpu.dma_semaphore, #tpu.memory_space<semaphore_mem>> -> memref<!tpu.dma_semaphore, #tpu.memory_space<semaphore_mem>>
      tpu.enqueue_indirect_dma source(%dma_start3A_545 : memref<100000x128xf32, #tpu.memory_space<hbm>>) target(%dma_start3A_539 : memref<128x128xf32, #tpu.memory_space<vmem>>) offsets(%dma_start3A_542 : memref<128xi32, #tpu.memory_space<vmem>>) semaphore(%dma_start3A_547 : memref<!tpu.dma_semaphore, #tpu.memory_space<semaphore_mem>>)
    }
    %scan3A_65 = arith.constant 49 : i32
    %dma_wait3A = arith.constant 0 : i32
    %dma_wait3A_66 = arith.constant 0 : i32
    %dma_wait3A_67 = arith.constant 0 : i32
    %dma_wait3A_68 = arith.constant 0 : i32
    %dma_wait3A_69 = arith.constant 0 : i32
    %dma_wait3A_70 = tpu.memref_slice %arg6[%dma_wait3A_66, %dma_wait3A_68, %dma_wait3A_69] : memref<4x128x128xf32, #tpu.memory_space<vmem>> -> memref<1x128x128xf32, #tpu.memory_space<vmem>>
    %dma_wait3A_71 = tpu.memref_squeeze %dma_wait3A_70 : memref<1x128x128xf32, #tpu.memory_space<vmem>> -> memref<128x128xf32, #tpu.memory_space<vmem>>
    %dma_wait3A_72 = arith.constant 0 : i32
    %dma_wait3A_73 = tpu.memref_slice %arg5[%dma_wait3A, %dma_wait3A_72] : memref<200x128xi32, #tpu.memory_space<vmem>> -> memref<1x128xi32, #tpu.memory_space<vmem>>
    %dma_wait3A_74 = tpu.memref_squeeze %dma_wait3A_73 : memref<1x128xi32, #tpu.memory_space<vmem>> -> memref<128xi32, #tpu.memory_space<vmem>>
    %dma_wait3A_75 = arith.constant 0 : i32
    %dma_wait3A_76 = arith.constant 0 : i32
    %dma_wait3A_77 = tpu.memref_slice %arg2[%dma_wait3A_75, %dma_wait3A_76] : memref<100000x128xf32, #tpu.memory_space<hbm>> -> memref<100000x128xf32, #tpu.memory_space<hbm>>
    %dma_wait3A_78 = tpu.memref_slice %arg7[%dma_wait3A_67] : memref<4x!tpu.dma_semaphore, #tpu.memory_space<semaphore_mem>> -> memref<1x!tpu.dma_semaphore, #tpu.memory_space<semaphore_mem>>
    %dma_wait3A_79 = tpu.memref_squeeze %dma_wait3A_78 : memref<1x!tpu.dma_semaphore, #tpu.memory_space<semaphore_mem>> -> memref<!tpu.dma_semaphore, #tpu.memory_space<semaphore_mem>>
    tpu.wait_indirect_dma semaphore(%dma_wait3A_79 : memref<!tpu.dma_semaphore, #tpu.memory_space<semaphore_mem>>) src(%dma_wait3A_77 : memref<100000x128xf32, #tpu.memory_space<hbm>>) dst(%dma_wait3A_71 : memref<128x128xf32, #tpu.memory_space<vmem>>)
    %add3A_80 = arith.constant 25088 : i32
    %add3A_81 = arith.addi %mul3A_2, %add3A_80 : i32
    %dma_start3A_82 = arith.constant 0 : i32
    %dma_start3A_83 = arith.constant 0 : i32
    %dma_start3A_84 = arith.constant 0 : i32
    %dma_start3A_85 = arith.constant 0 : i32
    %dma_start3A_86 = tpu.memref_slice %arg6[%dma_start3A_82, %dma_start3A_84, %dma_start3A_85] : memref<4x128x128xf32, #tpu.memory_space<vmem>> -> memref<1x128x128xf32, #tpu.memory_space<vmem>>
    %dma_start3A_87 = tpu.memref_squeeze %dma_start3A_86 : memref<1x128x128xf32, #tpu.memory_space<vmem>> -> memref<128x128xf32, #tpu.memory_space<vmem>>
    %dma_start3A_88 = arith.constant 0 : i32
    %dma_start3A_89 = tpu.memref_slice %arg4[%add3A_81, %dma_start3A_88] : memref<819200x128xf32, #tpu.memory_space<hbm>> -> memref<128x128xf32, #tpu.memory_space<hbm>>
    %dma_start3A_90 = tpu.memref_slice %arg8[%dma_start3A_83] : memref<4x!tpu.dma_semaphore, #tpu.memory_space<semaphore_mem>> -> memref<1x!tpu.dma_semaphore, #tpu.memory_space<semaphore_mem>>
    %dma_start3A_91 = tpu.memref_squeeze %dma_start3A_90 : memref<1x!tpu.dma_semaphore, #tpu.memory_space<semaphore_mem>> -> memref<!tpu.dma_semaphore, #tpu.memory_space<semaphore_mem>>
    %dma_start3A_92 = arith.constant 0 : i32
    %dma_start3A_93 = tpu.memref_slice %arg4[%add3A_81, %dma_start3A_92] : memref<819200x128xf32, #tpu.memory_space<hbm>> -> memref<128x128xf32, #tpu.memory_space<hbm>>
    %dma_start3A_94 = arith.constant 0 : i32
    %dma_start3A_95 = arith.constant 0 : i32
    %dma_start3A_96 = tpu.memref_slice %arg6[%dma_start3A_82, %dma_start3A_94, %dma_start3A_95] : memref<4x128x128xf32, #tpu.memory_space<vmem>> -> memref<1x128x128xf32, #tpu.memory_space<vmem>>
    %dma_start3A_97 = tpu.memref_squeeze %dma_start3A_96 : memref<1x128x128xf32, #tpu.memory_space<vmem>> -> memref<128x128xf32, #tpu.memory_space<vmem>>
    tpu.enqueue_dma source(%dma_start3A_97 : memref<128x128xf32, #tpu.memory_space<vmem>>) target(%dma_start3A_93 : memref<128x128xf32, #tpu.memory_space<hbm>>) target_semaphore(%dma_start3A_91 : memref<!tpu.dma_semaphore, #tpu.memory_space<semaphore_mem>>)
    %dma_wait3A_98 = arith.constant 0 : i32
    %dma_wait3A_99 = arith.constant 1 : i32
    %dma_wait3A_100 = arith.constant 1 : i32
    %dma_wait3A_101 = arith.constant 0 : i32
    %dma_wait3A_102 = arith.constant 0 : i32
    %dma_wait3A_103 = tpu.memref_slice %arg6[%dma_wait3A_99, %dma_wait3A_101, %dma_wait3A_102] : memref<4x128x128xf32, #tpu.memory_space<vmem>> -> memref<1x128x128xf32, #tpu.memory_space<vmem>>
    %dma_wait3A_104 = tpu.memref_squeeze %dma_wait3A_103 : memref<1x128x128xf32, #tpu.memory_space<vmem>> -> memref<128x128xf32, #tpu.memory_space<vmem>>
    %dma_wait3A_105 = arith.constant 0 : i32
    %dma_wait3A_106 = tpu.memref_slice %arg5[%dma_wait3A_98, %dma_wait3A_105] : memref<200x128xi32, #tpu.memory_space<vmem>> -> memref<1x128xi32, #tpu.memory_space<vmem>>
    %dma_wait3A_107 = tpu.memref_squeeze %dma_wait3A_106 : memref<1x128xi32, #tpu.memory_space<vmem>> -> memref<128xi32, #tpu.memory_space<vmem>>
    %dma_wait3A_108 = arith.constant 0 : i32
    %dma_wait3A_109 = arith.constant 0 : i32
    %dma_wait3A_110 = tpu.memref_slice %arg2[%dma_wait3A_108, %dma_wait3A_109] : memref<100000x128xf32, #tpu.memory_space<hbm>> -> memref<100000x128xf32, #tpu.memory_space<hbm>>
    %dma_wait3A_111 = tpu.memref_slice %arg7[%dma_wait3A_100] : memref<4x!tpu.dma_semaphore, #tpu.memory_space<semaphore_mem>> -> memref<1x!tpu.dma_semaphore, #tpu.memory_space<semaphore_mem>>
    %dma_wait3A_112 = tpu.memref_squeeze %dma_wait3A_111 : memref<1x!tpu.dma_semaphore, #tpu.memory_space<semaphore_mem>> -> memref<!tpu.dma_semaphore, #tpu.memory_space<semaphore_mem>>
    tpu.wait_indirect_dma semaphore(%dma_wait3A_112 : memref<!tpu.dma_semaphore, #tpu.memory_space<semaphore_mem>>) src(%dma_wait3A_110 : memref<100000x128xf32, #tpu.memory_space<hbm>>) dst(%dma_wait3A_104 : memref<128x128xf32, #tpu.memory_space<vmem>>)
    %add3A_113 = arith.constant 25216 : i32
    %add3A_114 = arith.addi %mul3A_2, %add3A_113 : i32
    %dma_start3A_115 = arith.constant 1 : i32
    %dma_start3A_116 = arith.constant 1 : i32
    %dma_start3A_117 = arith.constant 0 : i32
    %dma_start3A_118 = arith.constant 0 : i32
    %dma_start3A_119 = tpu.memref_slice %arg6[%dma_start3A_115, %dma_start3A_117, %dma_start3A_118] : memref<4x128x128xf32, #tpu.memory_space<vmem>> -> memref<1x128x128xf32, #tpu.memory_space<vmem>>
    %dma_start3A_120 = tpu.memref_squeeze %dma_start3A_119 : memref<1x128x128xf32, #tpu.memory_space<vmem>> -> memref<128x128xf32, #tpu.memory_space<vmem>>
    %dma_start3A_121 = arith.constant 0 : i32
    %dma_start3A_122 = tpu.memref_slice %arg4[%add3A_114, %dma_start3A_121] : memref<819200x128xf32, #tpu.memory_space<hbm>> -> memref<128x128xf32, #tpu.memory_space<hbm>>
    %dma_start3A_123 = tpu.memref_slice %arg8[%dma_start3A_116] : memref<4x!tpu.dma_semaphore, #tpu.memory_space<semaphore_mem>> -> memref<1x!tpu.dma_semaphore, #tpu.memory_space<semaphore_mem>>
    %dma_start3A_124 = tpu.memref_squeeze %dma_start3A_123 : memref<1x!tpu.dma_semaphore, #tpu.memory_space<semaphore_mem>> -> memref<!tpu.dma_semaphore, #tpu.memory_space<semaphore_mem>>
    %dma_start3A_125 = arith.constant 0 : i32
    %dma_start3A_126 = tpu.memref_slice %arg4[%add3A_114, %dma_start3A_125] : memref<819200x128xf32, #tpu.memory_space<hbm>> -> memref<128x128xf32, #tpu.memory_space<hbm>>
    %dma_start3A_127 = arith.constant 0 : i32
    %dma_start3A_128 = arith.constant 0 : i32
    %dma_start3A_129 = tpu.memref_slice %arg6[%dma_start3A_115, %dma_start3A_127, %dma_start3A_128] : memref<4x128x128xf32, #tpu.memory_space<vmem>> -> memref<1x128x128xf32, #tpu.memory_space<vmem>>
    %dma_start3A_130 = tpu.memref_squeeze %dma_start3A_129 : memref<1x128x128xf32, #tpu.memory_space<vmem>> -> memref<128x128xf32, #tpu.memory_space<vmem>>
    tpu.enqueue_dma source(%dma_start3A_130 : memref<128x128xf32, #tpu.memory_space<vmem>>) target(%dma_start3A_126 : memref<128x128xf32, #tpu.memory_space<hbm>>) target_semaphore(%dma_start3A_124 : memref<!tpu.dma_semaphore, #tpu.memory_space<semaphore_mem>>)
    %dma_wait3A_131 = arith.constant 0 : i32
    %dma_wait3A_132 = arith.constant 2 : i32
    %dma_wait3A_133 = arith.constant 2 : i32
    %dma_wait3A_134 = arith.constant 0 : i32
    %dma_wait3A_135 = arith.constant 0 : i32
    %dma_wait3A_136 = tpu.memref_slice %arg6[%dma_wait3A_132, %dma_wait3A_134, %dma_wait3A_135] : memref<4x128x128xf32, #tpu.memory_space<vmem>> -> memref<1x128x128xf32, #tpu.memory_space<vmem>>
    %dma_wait3A_137 = tpu.memref_squeeze %dma_wait3A_136 : memref<1x128x128xf32, #tpu.memory_space<vmem>> -> memref<128x128xf32, #tpu.memory_space<vmem>>
    %dma_wait3A_138 = arith.constant 0 : i32
    %dma_wait3A_139 = tpu.memref_slice %arg5[%dma_wait3A_131, %dma_wait3A_138] : memref<200x128xi32, #tpu.memory_space<vmem>> -> memref<1x128xi32, #tpu.memory_space<vmem>>
    %dma_wait3A_140 = tpu.memref_squeeze %dma_wait3A_139 : memref<1x128xi32, #tpu.memory_space<vmem>> -> memref<128xi32, #tpu.memory_space<vmem>>
    %dma_wait3A_141 = arith.constant 0 : i32
    %dma_wait3A_142 = arith.constant 0 : i32
    %dma_wait3A_143 = tpu.memref_slice %arg2[%dma_wait3A_141, %dma_wait3A_142] : memref<100000x128xf32, #tpu.memory_space<hbm>> -> memref<100000x128xf32, #tpu.memory_space<hbm>>
    %dma_wait3A_144 = tpu.memref_slice %arg7[%dma_wait3A_133] : memref<4x!tpu.dma_semaphore, #tpu.memory_space<semaphore_mem>> -> memref<1x!tpu.dma_semaphore, #tpu.memory_space<semaphore_mem>>
    %dma_wait3A_145 = tpu.memref_squeeze %dma_wait3A_144 : memref<1x!tpu.dma_semaphore, #tpu.memory_space<semaphore_mem>> -> memref<!tpu.dma_semaphore, #tpu.memory_space<semaphore_mem>>
    tpu.wait_indirect_dma semaphore(%dma_wait3A_145 : memref<!tpu.dma_semaphore, #tpu.memory_space<semaphore_mem>>) src(%dma_wait3A_143 : memref<100000x128xf32, #tpu.memory_space<hbm>>) dst(%dma_wait3A_137 : memref<128x128xf32, #tpu.memory_space<vmem>>)
    %add3A_146 = arith.constant 25344 : i32
    %add3A_147 = arith.addi %mul3A_2, %add3A_146 : i32
    %dma_start3A_148 = arith.constant 2 : i32
    %dma_start3A_149 = arith.constant 2 : i32
    %dma_start3A_150 = arith.constant 0 : i32
    %dma_start3A_151 = arith.constant 0 : i32
    %dma_start3A_152 = tpu.memref_slice %arg6[%dma_start3A_148, %dma_start3A_150, %dma_start3A_151] : memref<4x128x128xf32, #tpu.memory_space<vmem>> -> memref<1x128x128xf32, #tpu.memory_space<vmem>>
    %dma_start3A_153 = tpu.memref_squeeze %dma_start3A_152 : memref<1x128x128xf32, #tpu.memory_space<vmem>> -> memref<128x128xf32, #tpu.memory_space<vmem>>
    %dma_start3A_154 = arith.constant 0 : i32
    %dma_start3A_155 = tpu.memref_slice %arg4[%add3A_147, %dma_start3A_154] : memref<819200x128xf32, #tpu.memory_space<hbm>> -> memref<128x128xf32, #tpu.memory_space<hbm>>
    %dma_start3A_156 = tpu.memref_slice %arg8[%dma_start3A_149] : memref<4x!tpu.dma_semaphore, #tpu.memory_space<semaphore_mem>> -> memref<1x!tpu.dma_semaphore, #tpu.memory_space<semaphore_mem>>
    %dma_start3A_157 = tpu.memref_squeeze %dma_start3A_156 : memref<1x!tpu.dma_semaphore, #tpu.memory_space<semaphore_mem>> -> memref<!tpu.dma_semaphore, #tpu.memory_space<semaphore_mem>>
    %dma_start3A_158 = arith.constant 0 : i32
    %dma_start3A_159 = tpu.memref_slice %arg4[%add3A_147, %dma_start3A_158] : memref<819200x128xf32, #tpu.memory_space<hbm>> -> memref<128x128xf32, #tpu.memory_space<hbm>>
    %dma_start3A_160 = arith.constant 0 : i32
    %dma_start3A_161 = arith.constant 0 : i32
    %dma_start3A_162 = tpu.memref_slice %arg6[%dma_start3A_148, %dma_start3A_160, %dma_start3A_161] : memref<4x128x128xf32, #tpu.memory_space<vmem>> -> memref<1x128x128xf32, #tpu.memory_space<vmem>>
    %dma_start3A_163 = tpu.memref_squeeze %dma_start3A_162 : memref<1x128x128xf32, #tpu.memory_space<vmem>> -> memref<128x128xf32, #tpu.memory_space<vmem>>
    tpu.enqueue_dma source(%dma_start3A_163 : memref<128x128xf32, #tpu.memory_space<vmem>>) target(%dma_start3A_159 : memref<128x128xf32, #tpu.memory_space<hbm>>) target_semaphore(%dma_start3A_157 : memref<!tpu.dma_semaphore, #tpu.memory_space<semaphore_mem>>)
    %dma_wait3A_164 = arith.constant 0 : i32
    %dma_wait3A_165 = arith.constant 3 : i32
    %dma_wait3A_166 = arith.constant 3 : i32
    %dma_wait3A_167 = arith.constant 0 : i32
    %dma_wait3A_168 = arith.constant 0 : i32
    %dma_wait3A_169 = tpu.memref_slice %arg6[%dma_wait3A_165, %dma_wait3A_167, %dma_wait3A_168] : memref<4x128x128xf32, #tpu.memory_space<vmem>> -> memref<1x128x128xf32, #tpu.memory_space<vmem>>
    %dma_wait3A_170 = tpu.memref_squeeze %dma_wait3A_169 : memref<1x128x128xf32, #tpu.memory_space<vmem>> -> memref<128x128xf32, #tpu.memory_space<vmem>>
    %dma_wait3A_171 = arith.constant 0 : i32
    %dma_wait3A_172 = tpu.memref_slice %arg5[%dma_wait3A_164, %dma_wait3A_171] : memref<200x128xi32, #tpu.memory_space<vmem>> -> memref<1x128xi32, #tpu.memory_space<vmem>>
    %dma_wait3A_173 = tpu.memref_squeeze %dma_wait3A_172 : memref<1x128xi32, #tpu.memory_space<vmem>> -> memref<128xi32, #tpu.memory_space<vmem>>
    %dma_wait3A_174 = arith.constant 0 : i32
    %dma_wait3A_175 = arith.constant 0 : i32
    %dma_wait3A_176 = tpu.memref_slice %arg2[%dma_wait3A_174, %dma_wait3A_175] : memref<100000x128xf32, #tpu.memory_space<hbm>> -> memref<100000x128xf32, #tpu.memory_space<hbm>>
    %dma_wait3A_177 = tpu.memref_slice %arg7[%dma_wait3A_166] : memref<4x!tpu.dma_semaphore, #tpu.memory_space<semaphore_mem>> -> memref<1x!tpu.dma_semaphore, #tpu.memory_space<semaphore_mem>>
    %dma_wait3A_178 = tpu.memref_squeeze %dma_wait3A_177 : memref<1x!tpu.dma_semaphore, #tpu.memory_space<semaphore_mem>> -> memref<!tpu.dma_semaphore, #tpu.memory_space<semaphore_mem>>
    tpu.wait_indirect_dma semaphore(%dma_wait3A_178 : memref<!tpu.dma_semaphore, #tpu.memory_space<semaphore_mem>>) src(%dma_wait3A_176 : memref<100000x128xf32, #tpu.memory_space<hbm>>) dst(%dma_wait3A_170 : memref<128x128xf32, #tpu.memory_space<vmem>>)
    %add3A_179 = arith.constant 25472 : i32
    %add3A_180 = arith.addi %mul3A_2, %add3A_179 : i32
    %dma_start3A_181 = arith.constant 3 : i32
    %dma_start3A_182 = arith.constant 3 : i32
    %dma_start3A_183 = arith.constant 0 : i32
    %dma_start3A_184 = arith.constant 0 : i32
    %dma_start3A_185 = tpu.memref_slice %arg6[%dma_start3A_181, %dma_start3A_183, %dma_start3A_184] : memref<4x128x128xf32, #tpu.memory_space<vmem>> -> memref<1x128x128xf32, #tpu.memory_space<vmem>>
    %dma_start3A_186 = tpu.memref_squeeze %dma_start3A_185 : memref<1x128x128xf32, #tpu.memory_space<vmem>> -> memref<128x128xf32, #tpu.memory_space<vmem>>
    %dma_start3A_187 = arith.constant 0 : i32
    %dma_start3A_188 = tpu.memref_slice %arg4[%add3A_180, %dma_start3A_187] : memref<819200x128xf32, #tpu.memory_space<hbm>> -> memref<128x128xf32, #tpu.memory_space<hbm>>
    %dma_start3A_189 = tpu.memref_slice %arg8[%dma_start3A_182] : memref<4x!tpu.dma_semaphore, #tpu.memory_space<semaphore_mem>> -> memref<1x!tpu.dma_semaphore, #tpu.memory_space<semaphore_mem>>
    %dma_start3A_190 = tpu.memref_squeeze %dma_start3A_189 : memref<1x!tpu.dma_semaphore, #tpu.memory_space<semaphore_mem>> -> memref<!tpu.dma_semaphore, #tpu.memory_space<semaphore_mem>>
    %dma_start3A_191 = arith.constant 0 : i32
    %dma_start3A_192 = tpu.memref_slice %arg4[%add3A_180, %dma_start3A_191] : memref<819200x128xf32, #tpu.memory_space<hbm>> -> memref<128x128xf32, #tpu.memory_space<hbm>>
    %dma_start3A_193 = arith.constant 0 : i32
    %dma_start3A_194 = arith.constant 0 : i32
    %dma_start3A_195 = tpu.memref_slice %arg6[%dma_start3A_181, %dma_start3A_193, %dma_start3A_194] : memref<4x128x128xf32, #tpu.memory_space<vmem>> -> memref<1x128x128xf32, #tpu.memory_space<vmem>>
    %dma_start3A_196 = tpu.memref_squeeze %dma_start3A_195 : memref<1x128x128xf32, #tpu.memory_space<vmem>> -> memref<128x128xf32, #tpu.memory_space<vmem>>
    tpu.enqueue_dma source(%dma_start3A_196 : memref<128x128xf32, #tpu.memory_space<vmem>>) target(%dma_start3A_192 : memref<128x128xf32, #tpu.memory_space<hbm>>) target_semaphore(%dma_start3A_190 : memref<!tpu.dma_semaphore, #tpu.memory_space<semaphore_mem>>)
    %dma_wait3A_197 = arith.constant 0 : i32
    %dma_wait3A_198 = arith.constant 0 : i32
    %dma_wait3A_199 = arith.constant 0 : i32
    %dma_wait3A_200 = arith.constant 0 : i32
    %dma_wait3A_201 = tpu.memref_slice %arg6[%dma_wait3A_197, %dma_wait3A_199, %dma_wait3A_200] : memref<4x128x128xf32, #tpu.memory_space<vmem>> -> memref<1x128x128xf32, #tpu.memory_space<vmem>>
    %dma_wait3A_202 = tpu.memref_squeeze %dma_wait3A_201 : memref<1x128x128xf32, #tpu.memory_space<vmem>> -> memref<128x128xf32, #tpu.memory_space<vmem>>
    %dma_wait3A_203 = arith.constant 0 : i32
    %dma_wait3A_204 = tpu.memref_slice %arg4[%mul3A_2, %dma_wait3A_203] : memref<819200x128xf32, #tpu.memory_space<hbm>> -> memref<128x128xf32, #tpu.memory_space<hbm>>
    %dma_wait3A_205 = tpu.memref_slice %arg8[%dma_wait3A_198] : memref<4x!tpu.dma_semaphore, #tpu.memory_space<semaphore_mem>> -> memref<1x!tpu.dma_semaphore, #tpu.memory_space<semaphore_mem>>
    %dma_wait3A_206 = tpu.memref_squeeze %dma_wait3A_205 : memref<1x!tpu.dma_semaphore, #tpu.memory_space<semaphore_mem>> -> memref<!tpu.dma_semaphore, #tpu.memory_space<semaphore_mem>>
    %dma_wait3A_207 = arith.constant 0 : i32
    %dma_wait3A_208 = tpu.memref_slice %arg4[%mul3A_2, %dma_wait3A_207] : memref<819200x128xf32, #tpu.memory_space<hbm>> -> memref<128x128xf32, #tpu.memory_space<hbm>>
    %dma_wait3A_209 = arith.constant 0 : i32
    %dma_wait3A_210 = arith.constant 0 : i32
    %dma_wait3A_211 = tpu.memref_slice %arg6[%dma_wait3A_197, %dma_wait3A_209, %dma_wait3A_210] : memref<4x128x128xf32, #tpu.memory_space<vmem>> -> memref<1x128x128xf32, #tpu.memory_space<vmem>>
    %dma_wait3A_212 = tpu.memref_squeeze %dma_wait3A_211 : memref<1x128x128xf32, #tpu.memory_space<vmem>> -> memref<128x128xf32, #tpu.memory_space<vmem>>
    tpu.wait_dma2 semaphore(%dma_wait3A_206 : memref<!tpu.dma_semaphore, #tpu.memory_space<semaphore_mem>>) src(%dma_wait3A_212 : memref<128x128xf32, #tpu.memory_space<vmem>>) dst(%dma_wait3A_208 : memref<128x128xf32, #tpu.memory_space<hbm>>)
    %dma_wait3A_213 = arith.constant 1 : i32
    %dma_wait3A_214 = arith.constant 1 : i32
    %dma_wait3A_215 = arith.constant 0 : i32
    %dma_wait3A_216 = arith.constant 0 : i32
    %dma_wait3A_217 = tpu.memref_slice %arg6[%dma_wait3A_213, %dma_wait3A_215, %dma_wait3A_216] : memref<4x128x128xf32, #tpu.memory_space<vmem>> -> memref<1x128x128xf32, #tpu.memory_space<vmem>>
    %dma_wait3A_218 = tpu.memref_squeeze %dma_wait3A_217 : memref<1x128x128xf32, #tpu.memory_space<vmem>> -> memref<128x128xf32, #tpu.memory_space<vmem>>
    %dma_wait3A_219 = arith.constant 0 : i32
    %dma_wait3A_220 = tpu.memref_slice %arg4[%mul3A_2, %dma_wait3A_219] : memref<819200x128xf32, #tpu.memory_space<hbm>> -> memref<128x128xf32, #tpu.memory_space<hbm>>
    %dma_wait3A_221 = tpu.memref_slice %arg8[%dma_wait3A_214] : memref<4x!tpu.dma_semaphore, #tpu.memory_space<semaphore_mem>> -> memref<1x!tpu.dma_semaphore, #tpu.memory_space<semaphore_mem>>
    %dma_wait3A_222 = tpu.memref_squeeze %dma_wait3A_221 : memref<1x!tpu.dma_semaphore, #tpu.memory_space<semaphore_mem>> -> memref<!tpu.dma_semaphore, #tpu.memory_space<semaphore_mem>>
    %dma_wait3A_223 = arith.constant 0 : i32
    %dma_wait3A_224 = tpu.memref_slice %arg4[%mul3A_2, %dma_wait3A_223] : memref<819200x128xf32, #tpu.memory_space<hbm>> -> memref<128x128xf32, #tpu.memory_space<hbm>>
    %dma_wait3A_225 = arith.constant 0 : i32
    %dma_wait3A_226 = arith.constant 0 : i32
    %dma_wait3A_227 = tpu.memref_slice %arg6[%dma_wait3A_213, %dma_wait3A_225, %dma_wait3A_226] : memref<4x128x128xf32, #tpu.memory_space<vmem>> -> memref<1x128x128xf32, #tpu.memory_space<vmem>>
    %dma_wait3A_228 = tpu.memref_squeeze %dma_wait3A_227 : memref<1x128x128xf32, #tpu.memory_space<vmem>> -> memref<128x128xf32, #tpu.memory_space<vmem>>
    tpu.wait_dma2 semaphore(%dma_wait3A_222 : memref<!tpu.dma_semaphore, #tpu.memory_space<semaphore_mem>>) src(%dma_wait3A_228 : memref<128x128xf32, #tpu.memory_space<vmem>>) dst(%dma_wait3A_224 : memref<128x128xf32, #tpu.memory_space<hbm>>)
    %dma_wait3A_229 = arith.constant 2 : i32
    %dma_wait3A_230 = arith.constant 2 : i32
    %dma_wait3A_231 = arith.constant 0 : i32
    %dma_wait3A_232 = arith.constant 0 : i32
    %dma_wait3A_233 = tpu.memref_slice %arg6[%dma_wait3A_229, %dma_wait3A_231, %dma_wait3A_232] : memref<4x128x128xf32, #tpu.memory_space<vmem>> -> memref<1x128x128xf32, #tpu.memory_space<vmem>>
    %dma_wait3A_234 = tpu.memref_squeeze %dma_wait3A_233 : memref<1x128x128xf32, #tpu.memory_space<vmem>> -> memref<128x128xf32, #tpu.memory_space<vmem>>
    %dma_wait3A_235 = arith.constant 0 : i32
    %dma_wait3A_236 = tpu.memref_slice %arg4[%mul3A_2, %dma_wait3A_235] : memref<819200x128xf32, #tpu.memory_space<hbm>> -> memref<128x128xf32, #tpu.memory_space<hbm>>
    %dma_wait3A_237 = tpu.memref_slice %arg8[%dma_wait3A_230] : memref<4x!tpu.dma_semaphore, #tpu.memory_space<semaphore_mem>> -> memref<1x!tpu.dma_semaphore, #tpu.memory_space<semaphore_mem>>
    %dma_wait3A_238 = tpu.memref_squeeze %dma_wait3A_237 : memref<1x!tpu.dma_semaphore, #tpu.memory_space<semaphore_mem>> -> memref<!tpu.dma_semaphore, #tpu.memory_space<semaphore_mem>>
    %dma_wait3A_239 = arith.constant 0 : i32
    %dma_wait3A_240 = tpu.memref_slice %arg4[%mul3A_2, %dma_wait3A_239] : memref<819200x128xf32, #tpu.memory_space<hbm>> -> memref<128x128xf32, #tpu.memory_space<hbm>>
    %dma_wait3A_241 = arith.constant 0 : i32
    %dma_wait3A_242 = arith.constant 0 : i32
    %dma_wait3A_243 = tpu.memref_slice %arg6[%dma_wait3A_229, %dma_wait3A_241, %dma_wait3A_242] : memref<4x128x128xf32, #tpu.memory_space<vmem>> -> memref<1x128x128xf32, #tpu.memory_space<vmem>>
    %dma_wait3A_244 = tpu.memref_squeeze %dma_wait3A_243 : memref<1x128x128xf32, #tpu.memory_space<vmem>> -> memref<128x128xf32, #tpu.memory_space<vmem>>
    tpu.wait_dma2 semaphore(%dma_wait3A_238 : memref<!tpu.dma_semaphore, #tpu.memory_space<semaphore_mem>>) src(%dma_wait3A_244 : memref<128x128xf32, #tpu.memory_space<vmem>>) dst(%dma_wait3A_240 : memref<128x128xf32, #tpu.memory_space<hbm>>)
    %dma_wait3A_245 = arith.constant 3 : i32
    %dma_wait3A_246 = arith.constant 3 : i32
    %dma_wait3A_247 = arith.constant 0 : i32
    %dma_wait3A_248 = arith.constant 0 : i32
    %dma_wait3A_249 = tpu.memref_slice %arg6[%dma_wait3A_245, %dma_wait3A_247, %dma_wait3A_248] : memref<4x128x128xf32, #tpu.memory_space<vmem>> -> memref<1x128x128xf32, #tpu.memory_space<vmem>>
    %dma_wait3A_250 = tpu.memref_squeeze %dma_wait3A_249 : memref<1x128x128xf32, #tpu.memory_space<vmem>> -> memref<128x128xf32, #tpu.memory_space<vmem>>
    %dma_wait3A_251 = arith.constant 0 : i32
    %dma_wait3A_252 = tpu.memref_slice %arg4[%mul3A_2, %dma_wait3A_251] : memref<819200x128xf32, #tpu.memory_space<hbm>> -> memref<128x128xf32, #tpu.memory_space<hbm>>
    %dma_wait3A_253 = tpu.memref_slice %arg8[%dma_wait3A_246] : memref<4x!tpu.dma_semaphore, #tpu.memory_space<semaphore_mem>> -> memref<1x!tpu.dma_semaphore, #tpu.memory_space<semaphore_mem>>
    %dma_wait3A_254 = tpu.memref_squeeze %dma_wait3A_253 : memref<1x!tpu.dma_semaphore, #tpu.memory_space<semaphore_mem>> -> memref<!tpu.dma_semaphore, #tpu.memory_space<semaphore_mem>>
    %dma_wait3A_255 = arith.constant 0 : i32
    %dma_wait3A_256 = tpu.memref_slice %arg4[%mul3A_2, %dma_wait3A_255] : memref<819200x128xf32, #tpu.memory_space<hbm>> -> memref<128x128xf32, #tpu.memory_space<hbm>>
    %dma_wait3A_257 = arith.constant 0 : i32
    %dma_wait3A_258 = arith.constant 0 : i32
    %dma_wait3A_259 = tpu.memref_slice %arg6[%dma_wait3A_245, %dma_wait3A_257, %dma_wait3A_258] : memref<4x128x128xf32, #tpu.memory_space<vmem>> -> memref<1x128x128xf32, #tpu.memory_space<vmem>>
    %dma_wait3A_260 = tpu.memref_squeeze %dma_wait3A_259 : memref<1x128x128xf32, #tpu.memory_space<vmem>> -> memref<128x128xf32, #tpu.memory_space<vmem>>
    tpu.wait_dma2 semaphore(%dma_wait3A_254 : memref<!tpu.dma_semaphore, #tpu.memory_space<semaphore_mem>>) src(%dma_wait3A_260 : memref<128x128xf32, #tpu.memory_space<vmem>>) dst(%dma_wait3A_256 : memref<128x128xf32, #tpu.memory_space<hbm>>)
    return
  }
}

</mosaic_0001>

<sc_bundles>
// kernel: kernel.3.cloned.1.call-start
scs
__scs_entry_jumppad:
0x0: {  	(pc) =	sbr.rel $0x88, $3  }
0x1: {  	(tag) =	ssettag $0x0;
	lr =	simm.s32 $0x1  }
0x2: {  	[smem:$0x3F9F] =	sst lr;
	_ =	strace $0xD0000000  }
0x3: {  	_ = 	snop  }
0x4: {  	_ = 	snop  }
0x5: {  	_ = 	snop  }
0x6: {  	_ = 	snop  }
0x7: {  	_ = 	snop  }
__scs_overlays_trampoline_lowered:
0x8: {  	[smem:$0x3FAE] =	sst s0  }
0x9: {  	[smem:$0x3FAF] =	sst s1  }
0xa: {  	[smem:$0x3FB0] =	sst s2  }
0xb: {  	[smem:$0x3FB1] =	sst s3  }
0xc: {  	[smem:$0x3FB2] =	sst s4  }
0xd: {  	[smem:$0x3FB3] =	sst s5  }
0xe: {  	[smem:$0x3FB4] =	sst s6  }
0xf: {  	[smem:$0x3FB5] =	sst s7  }
0x10: {  	[smem:$0x3FB6] =	sst s8  }
0x11: {  	[smem:$0x3FB7] =	sst s9;
	s0 =	simm.s32 @!p0 $0x0  }
0x12: {  	s1 =	sld [smem:$0x3F9D];
	s0 =	simm.s32 @p0 $0x1  }
0x13: {  	[smem:$0x3FB8] =	sst s0;
	s0 =	simm.s32 @!p1 $0x0  }
0x14: {  	s2 =	sld [smem:$0x3F9C];
	s0 =	simm.s32 @p1 $0x1  }
0x15: {  	[smem:$0x3FB9] =	sst s0;
	s0 =	simm.s32 @!p2 $0x0  }
0x16: {  	s3 =	sld [smem:$0x3FDB];
	s0 =	simm.s32 @p2 $0x1  }
0x17: {  	s4 =	simm.s32 $0x1BF5;
	[smem:$0x3FBB] =	sst s0  }
0x18: {  	s0 =	sld [smem:$0x3F9E];
	_ =	swait.ge [sflag:s4], $0x0  }
0x19: {  	s7 =	sld [smem:$0x3F9F]  }
0x1a: {  	s8 =	sadd.s32 $0xFFFFE003, lr  }
0x1b: {  	s9 =	sadd.s32 $0xFFFFFEF7, lr;
	s5 =	simm.s32 $0xFFFFFFFF;
	p2 =	slt.u32 s8, $0xFFFFF086  }
0x1c: {  	p1 =	slt.u32 s9, $0xF7A;
	s5 =	simm.s32 @!p2 $0x0  }
0x1d: {  	s5 =	simm.s32 @p1 $0x1;
	p0 =	seq.s32 s7, s2  }
0x1e: {  	s7 =	smul.u32 @!p0 $0xF7A, s2;
	p2 =	seq.s32 @!p0 s5, $0x0  }
0x1f: {  	s9 =	smul.u32 $0xF7A, s1;
	s8 =	simm.s32 @!p0 $0x1BF5;
	p2 =	por !p2, p0  }
0x20: {  	[sflag:s8] =	ssyncset.s32 @!p0 $0xFFFFF086;
	s6 =	sadd.s32 @!p0 s3, s7;
	s7 =	simm.s32 @!p0 $0x108  }
0x21: {  	s3 =	sadd.s32 s3, s9;
	s6 =	sadd.s32 @!p0 $0x88, s6;
	s7 =	simm.s32 @p2 $0x1082  }
0x22: {  	[simem:s7], [sflag:s8] =	dma.local @!p0 [hbm:s6], $0xF7A  }
0x23: {  	s9 =	sor.u32 $0xD0000000, s2;
	s6 =	simm.s32 $0x108;
	_ =	swait.ge @!p0 [sflag:s8], $0x0  }
0x24: {  	s3 =	sadd.s32 $0x88, s3;
	s6 =	simm.s32 @!p1 $0x1082;
	[sflag:s4] =	ssyncset.s32 $0xFFFFF086  }
0x25: {  	[simem:s6], [sflag:s4] =	dma.local [hbm:s3], $0xF7A  }
0x26: {  	[smem:$0x3F9F] =	sst s1;
	(tag) =	ssettag s2;
	_ =	strace s9  }
0x27: {  	s1 =	sld [smem:$0x3FAF]  }
0x28: {  	s2 =	sld [smem:$0x3FB0]  }
0x29: {  	s4 =	sld [smem:$0x3FB2]  }
0x2a: {  	p0 =	seq.s32 s5, $0x0;
	s5 =	sld [smem:$0x3FB3]  }
0x2b: {  	s6 =	sld [smem:$0x3FB4]  }
0x2c: {  	s7 =	sld [smem:$0x3FB5]  }
0x2d: {  	s3 =	simm.s32 $0x108;
	s8 =	sld [smem:$0x3FB6]  }
0x2e: {  	s3 =	simm.s32 @!p0 $0x1082;
	s9 =	sld [smem:$0x3FB7]  }
0x2f: {  	lr =	sadd.s32 s0, s3;
	s0 =	sld [smem:$0x3FAE]  }
0x30: {  	s3 =	sld [smem:$0x3FB1]  }
0x31: {  	[smem:$0x3FBA] =	sst s10  }
0x32: {  	s10 =	sld [smem:$0x3FB8];
	_ =	sdelay $0x3  }
0x33: {  	p0 =	seq.s32 s10, $0x1;
	s10 =	sld [smem:$0x3FBA];
	_ =	sdelay $0x3  }
0x34: {  	[smem:$0x3FBA] =	sst s10  }
0x35: {  	s10 =	sld [smem:$0x3FB9];
	_ =	sdelay $0x3  }
0x36: {  	p1 =	seq.s32 s10, $0x1;
	s10 =	sld [smem:$0x3FBA];
	_ =	sdelay $0x3  }
0x37: {  	[smem:$0x3FBA] =	sst s10  }
0x38: {  	s10 =	sld [smem:$0x3FBB]  }
0x39: {  	_ = 	snop;
	(pc) =	sbr.ind lr, $3  }
0x3a: {  	_ = 	snop  }
0x3b: {  	_ = 	snop  }
0x3c: {  	p2 =	seq.s32 s10, $0x1;
	s10 =	sld [smem:$0x3FBA]  }
0x3d: {  	_ =	shalt  }
0x3e: {  	_ =	shalt  }
0x3f: {  	_ =	shalt  }
0x40: {  	_ =	shalt  }
0x41: {  	_ =	shalt  }
0x42: {  	_ =	shalt  }
0x43: {  	_ =	shalt  }
0x44: {  	_ =	shalt  }
0x45: {  	_ =	shalt  }
0x46: {  	_ =	shalt  }
0x47: {  	_ =	shalt  }
0x48: {  	_ =	shalt  }
0x49: {  	_ =	shalt  }
0x4a: {  	_ =	shalt  }
0x4b: {  	_ =	shalt  }
0x4c: {  	_ =	shalt  }
0x4d: {  	_ =	shalt  }
0x4e: {  	_ =	shalt  }
0x4f: {  	_ =	shalt  }
0x50: {  	_ =	shalt  }
0x51: {  	_ =	shalt  }
0x52: {  	_ =	shalt  }
0x53: {  	_ =	shalt  }
0x54: {  	_ =	shalt  }
0x55: {  	_ =	shalt  }
0x56: {  	_ =	shalt  }
0x57: {  	_ =	shalt  }
0x58: {  	_ =	shalt  }
0x59: {  	_ =	shalt  }
0x5a: {  	_ =	shalt  }
0x5b: {  	_ =	shalt  }
0x5c: {  	_ =	shalt  }
0x5d: {  	_ =	shalt  }
0x5e: {  	_ =	shalt  }
0x5f: {  	_ =	shalt  }
0x60: {  	_ =	shalt  }
0x61: {  	_ =	shalt  }
0x62: {  	_ =	shalt  }
0x63: {  	_ =	shalt  }
0x64: {  	_ =	shalt  }
0x65: {  	_ =	shalt  }
0x66: {  	_ =	shalt  }
0x67: {  	_ =	shalt  }
0x68: {  	_ =	shalt  }
0x69: {  	_ =	shalt  }
0x6a: {  	_ =	shalt  }
0x6b: {  	_ =	shalt  }
0x6c: {  	_ =	shalt  }
0x6d: {  	_ =	shalt  }
0x6e: {  	_ =	shalt  }
0x6f: {  	_ =	shalt  }
0x70: {  	_ =	shalt  }
0x71: {  	_ =	shalt  }
0x72: {  	_ =	shalt  }
0x73: {  	_ =	shalt  }
0x74: {  	_ =	shalt  }
0x75: {  	_ =	shalt  }
0x76: {  	_ =	shalt  }
0x77: {  	_ =	shalt  }
0x78: {  	_ =	shalt  }
0x79: {  	_ =	shalt  }
0x7a: {  	_ =	shalt  }
0x7b: {  	_ =	shalt  }
0x7c: {  	_ =	shalt  }
0x7d: {  	_ =	shalt  }
0x7e: {  	_ =	shalt  }
0x7f: {  	_ =	shalt  }
0x80: {  	_ =	shalt  }
0x81: {  	_ =	shalt  }
0x82: {  	_ =	shalt  }
0x83: {  	_ =	shalt  }
0x84: {  	_ =	shalt  }
0x85: {  	_ =	shalt  }
0x86: {  	_ =	shalt  }
0x87: {  	_ =	shalt  }
.Lfunc_end0:
.L_simem_size_0:
called_computation_lowered:
.L_overlay_start_0:
0x88: {  	s2 =	sld [smem:$0x3FD9]  }
0x89: {  	s3 =	sld [smem:$0x3FFE];
	_ =	sdelay $0x1  }
0x8a: {  	s1 =	srdreg.scid  }
0x8b: {  	s0 =	sand.u32 $0x1, s1  }
0x8c: {  	s17 =	sshll.u32 s0, $0xA;
	s2 =	sadd.s32 s3, s2  }
0x8d: {  	s2 =	sadd.s32 s2, s17  }
0x8e: {  	[smem:$0x3FC6] =	sst s2  }
0x8f: {  	_ = 	snop  }
0x90: {  	s2 =	sld [smem:$0x3FC8]  }
0x91: {  	s18 =	sld [smem:$0x3FD0];
	(tm) =	ssettm $0x1  }
0x92: {  	s4 =	sld [smem:$0x3FFB];
	_ =	sdelay $0x3  }
0x93: {  	_ =	strace s4  }
0x94: {  	s4 =	sld [smem:$0x3FFC];
	_ =	sdelay $0x3  }
0x95: {  	_ =	strace s4  }
0x96: {  	s4 =	sld [smem:$0x3FFD];
	_ =	sdelay $0x3  }
0x97: {  	_ =	strace s4  }
0x98: {  	_ =	strace $0x8FFFFFFF  }
0x99: {  	s19 =	sld [smem:$0x3FDB];
	_ =	sdelay $0x1  }
0x9a: {  	s5 =	simm.s32 $_scs_section_size  }
0x9b: {  	s6 =	simm.s32 $_size__tile_overlayer_lowered;
	s7 =	simm.s32 $_tile_overlayer_lowered  }
0x9c: {  	s22 =	simm.s32 $0x1BFF;
	s21 =	sshll.u32 s7, $0x1;
	s4 =	sadd.s32 s5, s19  }
0x9d: {  	s8 =	simm.s32 $0x0;
	s20 =	sshll.u32 s6, $0x1;
	s6 =	sadd.s32 s21, s4  }
0x9e: {  	[timem:s8], [sflag:s22] =	dma.local [hbm:s6], s20  }
0x9f: {  	_ =	swait.ge [sflag:s22], s20  }
0xa0: {  	s5 =	ssub.s32 $0x0, s20;
	[sflag:s22] =	ssyncset.done $0x0  }
0xa1: {  	[sflag:s22] =	ssyncadd.s32 s5;
	_ =	sdelay $0x1  }
0xa2: {  	s23 =	simm.s32 $0x1B8B  }
0xa3: {  	_ =	swait.ge [sflag:s23], $0x1  }
0xa4: {  	[sflag:s23] =	ssyncset.done $0x0  }
0xa5: {  	s25 =	simm.s32 $0x1B8E;
	s24 =	sld [smem:$0x3FFE];
	[sflag:s23] =	ssyncadd.s32 $0xFFFFFFFF  }
0xa6: {  	s26 =	simm.s32 $execute0_lowered;
	[smem:$0x3FD2] =	sst s25  }
0xa7: {  	s6 =	sshll.u32 s26, $0x1;
	_ =	strace $0x80000046;
	[dreg:$0x1] =	wrdreg $0xFFFFFFFF  }
0xa8: {  	s28 =	simm.s32 $_size_execute0_lowered;
	s4 =	sadd.s32 s4, s6;
	[dreg:$0x0] =	wrdreg $0x0  }
0xa9: {  	s6 =	sshll.u32 s28, $0x1;
	[dreg:$0x2] =	wrdreg s4  }
0xaa: {  	[dreg:$0x3] =	wrdreg s6  }
0xab: {  	[dreg:$0x4] =	wrdreg $0xC0  }
0xac: {  	_ =	task [dreg:s8], $0x5FFFF  }
0xad: {  	[dreg:$0x1] =	wrdreg $0xFFFFFFFF  }
0xae: {  	[dreg:$0x0] =	wrdreg $0x60  }
0xaf: {  	[dreg:$0x2] =	wrdreg s2  }
0xb0: {  	[dreg:$0x3] =	wrdreg s24  }
0xb1: {  	[dreg:$0x4] =	wrdreg s18  }
0xb2: {  	[dreg:$0x5] =	wrdreg $0x9  }
0xb3: {  	_ =	task.clear_ibuf [dreg:s8], $0x6FFFF;
	_ =	strace $0x90000046  }
0xb4: {  	s29 =	simm.s32 $0x9;
	_ =	strace $0x80000048  }
0xb5: {  	_ =	swait.ge [sflag:s29], $0x1  }
0xb6: {  	[sflag:s29] =	ssyncadd.s32 $0xFFFFFFFF  }
0xb7: {  	_ =	strace $0x90000048  }
0xb8: {  	_ =	sfence  }
0xb9: {  	s30 =	sld [smem:$0x0];
	_ =	sdelay $0x2  }
0xba: {  	s31 =	sshll.u32 s1, $0xD;
	s1 =	sshrl.u32 s1, $0x2  }
0xbb: {  	s3 =	sand.u32 $0x4000, s31;
	s1 =	sadd.s32 s1, s30  }
0xbc: {  	s0 =	sor.u32 s3, s0;
	s1 =	sshll.u32 s1, $0x11  }
0xbd: {  	s0 =	sor.u32 s1, s0  }
0xbe: {  	s0 =	sadd.s32 $0x8F2B, s0  }
0xbf: {  	[sflag:s0] =	ssyncadd.remote.s32 $0x1  }
0xc0: {  	_ =	sfence.sel $0xFFFF  }
0xc1: {  	[dreg:$0x0] =	wrdreg $0xFFFFFFFF;
	(pc) =	sbr.abs _section_cstart, $3  }
0xc2: {  	[dreg:$0x1] =	wrdreg $0xFFFFFFFF  }
0xc3: {  	_ =	task.clear_ibuf [dreg:s8], $0x2FFFF;
	_ =	strace $0x9FFFFFFF  }
0xc4: {  	(tm) =	ssettm $0x7FFFFFFF  }
0xc5: {  	_ =	shalt  }
tec
execute0_lowered:
.L_overlay_start_1:
0x0: {  	(tag) =	ssettag $0x1  }
0x1: {  	s1 =	rddreg [dreg:$0x0]  }
0x2: {  	s2 =	srdreg.scid;
	s4 =	rddreg [dreg:$0x1]  }
0x3: {  	s0 =	stileid.u32;
	s11 =	rddreg [dreg:$0x2];
	s14 =	simm.s32 $0x6400  }
0x4: {  	s15 =	simm.s32 $0xA400;
	s17 =	simm.s32 $0xE400;
	s18 =	simm.s32 $0x180  }
0x5: {  	s19 =	simm.s32 $0x12400;
	s20 =	simm.s32 $0x1;
	s21 =	simm.s32 $0x2  }
0x6: {  	s22 =	simm.s32 $0x3;
	s23 =	simm.s32 $0x4;
	s24 =	simm.s32 $0x5  }
0x7: {  	s25 =	simm.s32 $0x6;
	s26 =	simm.s32 $0x7;
	s8 =	smul.u32 $0x640000, s0  }
0x8: {  	s2 =	sand.u32 $0x1, s2;
	s3 =	sshll.u32 s0, $0x1;
	s13 =	smul.u32 $0xC8000, s0  }
0x9: {  	s28 =	simm.s32 $0x8;
	s5 =	sor.u32 s2, s3;
	s12 =	smul.u32 $0x320000, s2  }
0xa: {  	s3 =	simm.s32 $0x0;
	s30 =	ssub.s32 $0x2, s2;
	s2 =	smul.u32 $0x64000, s2  }
0xb: {  	s29 =	simm.s32 $0x0;
	s6 =	smul.u32 $0x6400, s5;
	[smem:$0x7FF] =	sst s3  }
0xc: {  	s5 =	smul.u32 $0x320000, s5;
	s7 =	sshrl.u32 s30, $0x1;
	_ =	strace $0x80000047  }
0xd: {  	s9 =	ssub.s32 s30, s7;
	s12 =	sadd.s32 s12, s8;
	s6 =	sshrl.u32 s6, $0x3  }
0xe: {  	s5 =	sshrl.u32 s5, $0x3;
	s31 =	sshrl.u32 s12, $0x3;
	s9 =	smax.u32 s9, $0x1  }
0xf: {  	s12 =	simm.s32 $0x9;
	s4 =	sadd.s32 s6, s4;
	s10 =	sadd.s32 s11, s5  }
0x10: {  	s5 =	sadd.s32 $0x62000, s10;
	s6 =	sadd.s32 $0x62800, s10;
	s7 =	sadd.s32 $0x63000, s10  }
0x11: {  	s8 =	sadd.s32 $0x63800, s10;
	s10 =	sadd.s32 s31, s11;
	s11 =	sadd.s32 s13, s11  }
0x12: {  	s4 =	sadd.s32 $0x400, s4;
	s13 =	simm.s32 $0x80;
	s11 =	sadd.s32 s2, s11  }
.LBB2_1:
0x13: {  	[tilespmem:s3], [sflag:$0x9] =	stream.linear.gather [hbm4b:s4+s3], $0x6400, $0x38;
	[tilespmem:$0x16400] =	vst v63  }
0x14: {  	_ =	swait.ge [sflag:s12], $0x6400  }
0x15: {  	[sflag:s12] =	ssyncset.done $0x0  }
0x16: {  	[sflag:s12] =	ssyncadd.s32 $0xFFFF9C00  }
0x17: {  	[tilespmem:s14], [sflag:$0x1] =	stream.indirect.gather [hbm4b:s1+s13], $0x80, s3, s13, $0xb8;
	[tilespmem:$0x16400] =	vst v63  }
0x18: {  	_ = 	snop  }
0x19: {  	[tilespmem:s15], [sflag:$0x2] =	stream.indirect.gather [hbm4b:s1+s13], $0x80, s13, s13, $0xb8;
	[tilespmem:$0x16400] =	vst v63  }
0x1a: {  	s0 =	simm.s32 $0x100  }
0x1b: {  	[tilespmem:s17], [sflag:$0x3] =	stream.indirect.gather [hbm4b:s1+s13], $0x80, s0, s13, $0xb8;
	[tilespmem:$0x16400] =	vst v63  }
0x1c: {  	_ = 	snop  }
0x1d: {  	[tilespmem:s19], [sflag:$0x4] =	stream.indirect.gather [hbm4b:s1+s13], $0x80, s18, s13, $0xb8;
	[tilespmem:$0x16400] =	vst v63  }
0x1e: {  	_ =	swait.ge [sflag:s20], $0x4000  }
0x1f: {  	[sflag:s20] =	ssyncset.done $0x0  }
0x20: {  	s2 =	sadd.s32 $0x0, s10;
	[sflag:s20] =	ssyncadd.s32 $0xFFFFC000  }
0x21: {  	[hbm4b:s2+s3] =	stream.linear.scatter [tilespmem:s14], [sflag:$0x5], $0x4000, $0x38;
	[tilespmem:$0x16400] =	vst v63  }
0x22: {  	_ =	swait.ge [sflag:s21], $0x4000  }
0x23: {  	s0 =	sadd.s32 $0x0, s11;
	[sflag:s21] =	ssyncset.done $0x0  }
0x24: {  	s30 =	sadd.s32 $0x800, s0;
	[sflag:s21] =	ssyncadd.s32 $0xFFFFC000  }
0x25: {  	[hbm4b:s30+s3] =	stream.linear.scatter [tilespmem:s15], [sflag:$0x6], $0x4000, $0x38;
	[tilespmem:$0x16400] =	vst v63  }
0x26: {  	_ =	swait.ge [sflag:s22], $0x4000  }
0x27: {  	[sflag:s22] =	ssyncset.done $0x0  }
0x28: {  	s30 =	sadd.s32 $0x1000, s0;
	[sflag:s22] =	ssyncadd.s32 $0xFFFFC000  }
0x29: {  	[hbm4b:s30+s3] =	stream.linear.scatter [tilespmem:s17], [sflag:$0x7], $0x4000, $0x38;
	[tilespmem:$0x16400] =	vst v63  }
0x2a: {  	_ =	swait.ge [sflag:s23], $0x4000  }
0x2b: {  	[sflag:s23] =	ssyncset.done $0x0  }
0x2c: {  	s2 =	sadd.s32 $0x1800, s0;
	[sflag:s23] =	ssyncadd.s32 $0xFFFFC000  }
0x2d: {  	[hbm4b:s2+s3] =	stream.linear.scatter [tilespmem:s19], [sflag:$0x8], $0x4000, $0x38;
	[tilespmem:$0x16400] =	vst v63  }
0x2e: {  	_ =	swait.ge [sflag:s24], $0x4000  }
0x2f: {  	[sflag:s24] =	ssyncset.done $0x0  }
0x30: {  	s16 =	simm.s32 $0x200;
	[sflag:s24] =	ssyncadd.s32 $0xFFFFC000  }
0x31: {  	[tilespmem:s14], [sflag:$0x1] =	stream.indirect.gather [hbm4b:s1+s13], $0x80, s16, s13, $0xb8;
	[tilespmem:$0x16400] =	vst v63  }
0x32: {  	_ =	swait.ge [sflag:s25], $0x4000  }
0x33: {  	[sflag:s25] =	ssyncset.done $0x0  }
0x34: {  	s0 =	simm.s32 $0x280;
	[sflag:s25] =	ssyncadd.s32 $0xFFFFC000  }
0x35: {  	[tilespmem:s15], [sflag:$0x2] =	stream.indirect.gather [hbm4b:s1+s13], $0x80, s0, s13, $0xb8;
	[tilespmem:$0x16400] =	vst v63  }
0x36: {  	_ =	swait.ge [sflag:s26], $0x4000  }
0x37: {  	[sflag:s26] =	ssyncset.done $0x0  }
0x38: {  	s16 =	simm.s32 $0x300;
	[sflag:s26] =	ssyncadd.s32 $0xFFFFC000  }
0x39: {  	[tilespmem:s17], [sflag:$0x3] =	stream.indirect.gather [hbm4b:s1+s13], $0x80, s16, s13, $0xb8;
	[tilespmem:$0x16400] =	vst v63  }
0x3a: {  	_ =	swait.ge [sflag:s28], $0x4000  }
0x3b: {  	s31 =	simm.s32 $0x2000;
	[sflag:s28] =	ssyncset.done $0x0  }
0x3c: {  	s30 =	simm.s32 $0x380;
	s2 =	simm.s32 $0x580;
	[sflag:s28] =	ssyncadd.s32 $0xFFFFC000  }
.LBB2_2:
0x3d: {  	[tilespmem:s19], [sflag:$0x4] =	stream.indirect.gather [hbm4b:s1+s13], $0x80, s30, s13, $0xb8;
	[tilespmem:$0x16400] =	vst v63  }
0x3e: {  	s0 =	smov.u32 s31;
	s30 =	smov.u32 s2  }
0x3f: {  	p0 =	sne.s32 s31, $0x60000;
	s31 =	sadd.s32 $0x2000, s31;
	_ =	swait.ge [sflag:s20], $0x4000  }
0x40: {  	[sflag:s20] =	ssyncset.done $0x0  }
0x41: {  	s16 =	sadd.s32 s0, s10;
	[sflag:s20] =	ssyncadd.s32 $0xFFFFC000  }
0x42: {  	[hbm4b:s16+s3] =	stream.linear.scatter [tilespmem:s14], [sflag:$0x5], $0x4000, $0x38;
	[tilespmem:$0x16400] =	vst v63  }
0x43: {  	_ =	swait.ge [sflag:s21], $0x4000  }
0x44: {  	s0 =	sadd.s32 s0, s11;
	[sflag:s21] =	ssyncset.done $0x0  }
0x45: {  	s16 =	sadd.s32 $0x800, s0;
	[sflag:s21] =	ssyncadd.s32 $0xFFFFC000  }
0x46: {  	[hbm4b:s16+s3] =	stream.linear.scatter [tilespmem:s15], [sflag:$0x6], $0x4000, $0x38;
	[tilespmem:$0x16400] =	vst v63  }
0x47: {  	_ =	swait.ge [sflag:s22], $0x4000  }
0x48: {  	[sflag:s22] =	ssyncset.done $0x0  }
0x49: {  	s16 =	sadd.s32 $0x1000, s0;
	[sflag:s22] =	ssyncadd.s32 $0xFFFFC000  }
0x4a: {  	[hbm4b:s16+s3] =	stream.linear.scatter [tilespmem:s17], [sflag:$0x7], $0x4000, $0x38;
	[tilespmem:$0x16400] =	vst v63  }
0x4b: {  	_ =	swait.ge [sflag:s23], $0x4000  }
0x4c: {  	[sflag:s23] =	ssyncset.done $0x0  }
0x4d: {  	s0 =	sadd.s32 $0x1800, s0;
	[sflag:s23] =	ssyncadd.s32 $0xFFFFC000  }
0x4e: {  	[hbm4b:s0+s3] =	stream.linear.scatter [tilespmem:s19], [sflag:$0x8], $0x4000, $0x38;
	[tilespmem:$0x16400] =	vst v63  }
0x4f: {  	_ =	swait.ge [sflag:s24], $0x4000  }
0x50: {  	[sflag:s24] =	ssyncset.done $0x0  }
0x51: {  	s0 =	sadd.s32 $0xFFFFFE80, s2;
	[sflag:s24] =	ssyncadd.s32 $0xFFFFC000  }
0x52: {  	[tilespmem:s14], [sflag:$0x1] =	stream.indirect.gather [hbm4b:s1+s13], $0x80, s0, s13, $0xb8;
	[tilespmem:$0x16400] =	vst v63  }
0x53: {  	_ =	swait.ge [sflag:s25], $0x4000  }
0x54: {  	[sflag:s25] =	ssyncset.done $0x0  }
0x55: {  	s0 =	sadd.s32 $0xFFFFFF00, s2;
	[sflag:s25] =	ssyncadd.s32 $0xFFFFC000  }
0x56: {  	[tilespmem:s15], [sflag:$0x2] =	stream.indirect.gather [hbm4b:s1+s13], $0x80, s0, s13, $0xb8;
	[tilespmem:$0x16400] =	vst v63  }
0x57: {  	_ =	swait.ge [sflag:s26], $0x4000  }
0x58: {  	[sflag:s26] =	ssyncset.done $0x0  }
.Ltmp0:
0x59: {  	s0 =	sadd.s32 $0xFFFFFF80, s2;
	[sflag:s26] =	ssyncadd.s32 $0xFFFFC000;
	(pc) =	sbr.rel @p0 .LBB2_2-.Ltmp0, $4  }
0x5a: {  	[tilespmem:s17], [sflag:$0x3] =	stream.indirect.gather [hbm4b:s1+s13], $0x80, s0, s13, $0xb8;
	[tilespmem:$0x16400] =	vst v63  }
0x5b: {  	_ =	swait.ge [sflag:s28], $0x4000  }
0x5c: {  	[sflag:s28] =	ssyncset.done $0x0  }
0x5d: {  	s2 =	sadd.s32 $0x200, s2;
	[sflag:s28] =	ssyncadd.s32 $0xFFFFC000  }
0x5e: {  	[tilespmem:s19], [sflag:$0x4] =	stream.indirect.gather [hbm4b:s1+s13], $0x80, s30, s13, $0xb8;
	[tilespmem:$0x16400] =	vst v63  }
0x5f: {  	_ =	swait.ge [sflag:s20], $0x4000  }
0x60: {  	[sflag:s20] =	ssyncset.done $0x0  }
0x61: {  	[sflag:s20] =	ssyncadd.s32 $0xFFFFC000  }
0x62: {  	[hbm4b:s5+s3] =	stream.linear.scatter [tilespmem:s14], [sflag:$0x5], $0x4000, $0x38;
	[tilespmem:$0x16400] =	vst v63  }
0x63: {  	_ =	swait.ge [sflag:s21], $0x4000  }
0x64: {  	[sflag:s21] =	ssyncset.done $0x0  }
0x65: {  	[sflag:s21] =	ssyncadd.s32 $0xFFFFC000  }
0x66: {  	[hbm4b:s6+s3] =	stream.linear.scatter [tilespmem:s15], [sflag:$0x6], $0x4000, $0x38;
	[tilespmem:$0x16400] =	vst v63  }
0x67: {  	_ =	swait.ge [sflag:s22], $0x4000  }
0x68: {  	[sflag:s22] =	ssyncset.done $0x0  }
0x69: {  	[sflag:s22] =	ssyncadd.s32 $0xFFFFC000  }
0x6a: {  	[hbm4b:s7+s3] =	stream.linear.scatter [tilespmem:s17], [sflag:$0x7], $0x4000, $0x38;
	[tilespmem:$0x16400] =	vst v63  }
0x6b: {  	_ =	swait.ge [sflag:s23], $0x4000  }
0x6c: {  	[sflag:s23] =	ssyncset.done $0x0  }
0x6d: {  	[sflag:s23] =	ssyncadd.s32 $0xFFFFC000  }
0x6e: {  	[hbm4b:s8+s3] =	stream.linear.scatter [tilespmem:s19], [sflag:$0x8], $0x4000, $0x38;
	[tilespmem:$0x16400] =	vst v63  }
0x6f: {  	_ =	swait.ge [sflag:s24], $0x4000  }
0x70: {  	[sflag:s24] =	ssyncset.done $0x0  }
0x71: {  	[sflag:s24] =	ssyncadd.s32 $0xFFFFC000  }
0x72: {  	_ =	swait.ge [sflag:s25], $0x4000  }
0x73: {  	[sflag:s25] =	ssyncset.done $0x0  }
0x74: {  	s29 =	sadd.s32 $0x1, s29;
	[sflag:s25] =	ssyncadd.s32 $0xFFFFC000  }
0x75: {  	p0 =	sne.s32 s29, s9;
	_ =	swait.ge [sflag:s26], $0x4000  }
.Ltmp1:
0x76: {  	[sflag:s26] =	ssyncset.done $0x0;
	(pc) =	sbr.rel @p0 .LBB2_1-.Ltmp1, $4  }
0x77: {  	[sflag:s26] =	ssyncadd.s32 $0xFFFFC000  }
0x78: {  	_ =	swait.ge [sflag:s28], $0x4000  }
0x79: {  	[sflag:s28] =	ssyncset.done $0x0  }
0x7a: {  	[sflag:s28] =	ssyncadd.s32 $0xFFFFC000  }
0x7b: {  	_ =	sfence.sel $0x180000  }
0x7c: {  	[bflag:$0x0] =	sbarrier.arrive $0xFFFF  }
0x7d: {  	_ =	strace $0x90000047  }
0x7e: {  	s0 =	stileid.u32;
	[bflag:$0x2] =	sbarrier.arrive $0xFFFF  }
0x7f: {  	p0 =	sne.s32 s0, $0x0;
	s0 =	rddreg [dreg:$0x3]  }
0x80: {  	s0 =	sadd.s32 @!p0 $0x100000, s0  }
0x81: {  	[sflag:s0] =	ssyncadd.tile.s32 @!p0 $0x1;
	_ =	shalt  }
.Lfunc_end2:
_tile_overlayer_lowered:
.L_overlay_start_2:
0x82: {  	(tag) =	ssettag $0x2  }
0x83: {  	s0 =	rddreg [dreg:$0x0];
	s2 =	stileid.u32  }
0x84: {  	s1 =	rddreg [dreg:$0x1];
	p0 =	sne.s32 s2, $0x0  }
0x85: {  	s3 =	rddreg [dreg:$0x2];
	[bflag:$0x3] =	sbarrier.arrive $0xFFFF;
	s2 =	simm.s32 @!p0 $0x1C09  }
0x86: {  	[timem:s3], [sflag:s2] =	dma.local @!p0 [hbm:s0], s1  }
0x87: {  	s0 =	simm.s32 @!p0 $0x9  }
0x88: {  	_ =	swait.ge @!p0 [sflag:s0], s1  }
0x89: {  	s1 =	ssub.s32 @!p0 $0x0, s1;
	[sflag:s0] =	ssyncset.done @!p0 $0x0  }
0x8a: {  	[sflag:s0] =	ssyncadd.s32 @!p0 s1  }
0x8b: {  	[bflag:$0x3] =	sbarrier.arrive $0xFFFF  }
0x8c: {  	_ =	shalt  }

</sc_bundles>
